<compile_context>
chip_gen: v7x
topology: tpu7x:2x2x1
jax: 0.10.2.dev20260603
libtpu: 0.0.44.dev20260713+nightly
codegen_flags: <defaults>
</compile_context>

<pallas_src>
import functools

import jax
import jax.numpy as jnp
from jax import lax
from jax.experimental import pallas as pl
from jax.experimental.pallas import tpu as pltpu
from jax.experimental.pallas import tpu_sc as plsc

D = 128
NC = 2
NS = 16
NW = NC * NS
CHUNK = 128
UNIT = NW * CHUNK
BLOCK = 4096
PIECES = (2, 2)


def _gather_body(u0, k, table_hbm, idx_hbm, out_hbm, idx_v, rows_v,
                 g_sem0, g_sem1, w_sem0, w_sem1):
    wid = lax.axis_index("s") * NC + lax.axis_index("c")
    g_sems = [g_sem0, g_sem1]
    w_sems = [w_sem0, w_sem1]
    idx_copies = [
        pltpu.async_copy(idx_hbm.at[u0 + j].at[wid], idx_v.at[j],
                         w_sems[j % 2])
        for j in range(k)
    ]

    def fire(j):
        idx_copies[j].wait()
        return pltpu.async_copy(
            table_hbm.at[idx_v.at[j]], rows_v.at[j % 2], g_sems[j % 2]
        )

    inflight = {0: fire(0)}
    if k > 1:
        inflight[1] = fire(1)
    writes = {}
    for j in range(k):
        inflight.pop(j).wait()
        writes[j] = pltpu.async_copy(
            rows_v.at[j % 2], out_hbm.at[j].at[wid], w_sems[j % 2]
        )
        if j + 2 < k:
            writes.pop(j).wait()
            inflight[j + 2] = fire(j + 2)
    for w in writes.values():
        w.wait()


def _sc_gather(table, idx3, u0, k):
    mesh = plsc.VectorSubcoreMesh(
        core_axis_name="c", subcore_axis_name="s", num_cores=NC, num_subcores=NS
    )
    return pl.kernel(
        functools.partial(_gather_body, u0, k),
        out_type=jax.ShapeDtypeStruct((k, NW, CHUNK, D), jnp.float32),
        mesh=mesh,
        scratch_types=[
            pltpu.VMEM((k, CHUNK), jnp.int32),
            pltpu.VMEM((2, CHUNK, D), jnp.float32),
            pltpu.SemaphoreType.DMA,
            pltpu.SemaphoreType.DMA,
            pltpu.SemaphoreType.DMA,
            pltpu.SemaphoreType.DMA,
        ],
    )(table, idx3)


def _silu_mm_body(h_ref, w_ref, b_ref, o_ref):
    h = h_ref[...]
    h = h * jax.nn.sigmoid(h)
    o_ref[...] = (
        lax.dot_general(h, w_ref[...], (((1,), (1,)), ((), ())),
                        preferred_element_type=jnp.float32)
        + b_ref[...]
    )


def _silu_mm_body_alias(h_ref, w_ref, b_ref, y_ref, o_ref):
    del y_ref
    _silu_mm_body(h_ref, w_ref, b_ref, o_ref)


def _tc_piece(gathered, W, b2, total_batch, block_off, y=None):
    rows = gathered.shape[0]
    nb = rows // BLOCK
    in_specs = [
        pl.BlockSpec((BLOCK, D), lambda i: (i, 0)),
        pl.BlockSpec((D, D), lambda i: (0, 0)),
        pl.BlockSpec((1, D), lambda i: (0, 0)),
    ]
    args = [gathered, W, b2]
    body = _silu_mm_body
    kwargs = {}
    if y is not None:
        in_specs.append(pl.BlockSpec(memory_space=pl.ANY))
        args.append(y)
        body = _silu_mm_body_alias
        kwargs["input_output_aliases"] = {3: 0}
    return pl.pallas_call(
        body,
        out_shape=jax.ShapeDtypeStruct((total_batch, D), jnp.float32),
        grid=(nb,),
        in_specs=in_specs,
        out_specs=pl.BlockSpec((BLOCK, D), lambda i: (i + block_off, 0)),
        **kwargs,
    )(*args)


def kernel(x, emb_table, W, b):
    batch = x.shape[0]
    units = batch // UNIT
    assert sum(PIECES) == units
    idx3 = x.reshape(units, NW, CHUNK)
    b2 = b.reshape(1, D)
    gs = []
    u0 = 0
    for k in PIECES:
        gs.append(_sc_gather(emb_table, idx3, u0, k).reshape(k * UNIT, D))
        u0 += k
    y = None
    u0 = 0
    for g, k in zip(gs, PIECES):
        y = _tc_piece(g, W, b2, batch, u0 * UNIT // BLOCK, y)
        u0 += k
    return y

# --- scband reference (transcript-rebuilt; emitter-appended) ---
"""Pipeline reference for scband-label-embedder-62697932587374 (READ-ONLY COPY).

The authoritative reference and input builder live on the scoring server;
editing this copy changes nothing except your own understanding.
"""

import jax, jax.numpy as jnp
import numpy as np

CLASSES_NUM = 1000000
OUT_CHANNELS = 128
BATCH = 16384


def setup_inputs(seed: int = 0) -> dict:
    key = jax.random.key(seed)
    k_idx, k_emb, k_w, k_b = jax.random.split(key, 4)
    x = jax.random.randint(k_idx, (BATCH,), 0, CLASSES_NUM, dtype=jnp.int64 if jax.config.jax_enable_x64 else jnp.int32).astype(jnp.int32)
    emb_table = jax.random.normal(k_emb, (CLASSES_NUM, OUT_CHANNELS), dtype=jnp.float32)
    # nn.Linear default init: U(-1/sqrt(fan_in), 1/sqrt(fan_in))
    bound = 1.0 / np.sqrt(OUT_CHANNELS)
    W = jax.random.uniform(k_w, (OUT_CHANNELS, OUT_CHANNELS), minval=-bound, maxval=bound, dtype=jnp.float32)
    b = jax.random.uniform(k_b, (OUT_CHANNELS,), minval=-bound, maxval=bound, dtype=jnp.float32)
    return {"x": x, "emb_table": emb_table, "W": W, "b": b}


def reference(x, emb_table, W, b):
    # nn.Embedding lookup -> gather
    h = jnp.take(emb_table, x, axis=0)  # (b, d)
    # SiLU
    h = h * jax.nn.sigmoid(h)
    # nn.Linear: y = h @ W.T + b
    out = h @ W.T + b
    return out

if __name__ == "__main__":
    import jax
    _d = setup_inputs()
    print(jax.jit(kernel)(*tuple(_d.values())))

</pallas_src>

<mosaic_0001>
#map = affine_map<(d0, d1) -> (0, 0)>
#map1 = affine_map<(d0, d1) -> (0, 0, 0)>
#map2 = affine_map<(d0, d1) -> (0, 0, 0, 0)>
module attributes {stable_mosaic.version = 14 : i64} {
  func.func @_gather_body(%arg0: i32, %arg1: i32, %arg2: memref<1000000x128xf32, #tpu.memory_space<hbm>>, %arg3: memref<4x32x128xi32, #tpu.memory_space<hbm>>, %arg4: memref<2x32x128x128xf32, #tpu.memory_space<hbm>>, %arg5: memref<2x128xi32, #tpu.memory_space<vmem>>, %arg6: memref<2x128x128xf32, #tpu.memory_space<vmem>>, %arg7: memref<!tpu.dma_semaphore, #tpu.memory_space<semaphore_mem>>, %arg8: memref<!tpu.dma_semaphore, #tpu.memory_space<semaphore_mem>>, %arg9: memref<!tpu.dma_semaphore, #tpu.memory_space<semaphore_mem>>, %arg10: memref<!tpu.dma_semaphore, #tpu.memory_space<semaphore_mem>>) attributes {dimension_semantics = [#tpu.dimension_semantics<core_parallel>, #tpu.dimension_semantics<subcore_parallel>], iteration_bounds = array<i64: 2, 16>, scalar_prefetch = 0 : i64, scratch_operands = 6 : i64, tpu.core_type = #tpu.core_type<sc_vector_subcore>, window_params = [{transform_indices = #map}, {transform_indices = #map1}, {transform_indices = #map2}]} {
    %mul3A = arith.constant 2 : i32
    %mul3A_0 = arith.muli %arg1, %mul3A : i32
    %add3A = arith.addi %mul3A_0, %arg0 : i32
    %dma_start3A = arith.constant 0 : i32
    %dma_start3A_1 = arith.constant 0 : i32
    %dma_start3A_2 = arith.constant 0 : i32
    %dma_start3A_3 = tpu.memref_slice %arg5[%dma_start3A_1, %dma_start3A_2] : memref<2x128xi32, #tpu.memory_space<vmem>> -> memref<1x128xi32, #tpu.memory_space<vmem>>
    %dma_start3A_4 = tpu.memref_squeeze %dma_start3A_3 : memref<1x128xi32, #tpu.memory_space<vmem>> -> memref<128xi32, #tpu.memory_space<vmem>>
    %dma_start3A_5 = arith.constant 0 : i32
    %dma_start3A_6 = arith.constant 0 : i32
    %dma_start3A_7 = tpu.memref_slice %arg3[%dma_start3A, %dma_start3A_5, %dma_start3A_6] : memref<4x32x128xi32, #tpu.memory_space<hbm>> -> memref<1x32x128xi32, #tpu.memory_space<hbm>>
    %dma_start3A_8 = tpu.memref_squeeze %dma_start3A_7 : memref<1x32x128xi32, #tpu.memory_space<hbm>> -> memref<32x128xi32, #tpu.memory_space<hbm>>
    %dma_start3A_9 = arith.constant 0 : i32
    %dma_start3A_10 = tpu.memref_slice %dma_start3A_8[%add3A, %dma_start3A_9] : memref<32x128xi32, #tpu.memory_space<hbm>> -> memref<1x128xi32, #tpu.memory_space<hbm>>
    %dma_start3A_11 = tpu.memref_squeeze %dma_start3A_10 : memref<1x128xi32, #tpu.memory_space<hbm>> -> memref<128xi32, #tpu.memory_space<hbm>>
    %dma_start3A_12 = arith.constant 0 : i32
    %dma_start3A_13 = tpu.memref_slice %arg5[%dma_start3A_1, %dma_start3A_12] : memref<2x128xi32, #tpu.memory_space<vmem>> -> memref<1x128xi32, #tpu.memory_space<vmem>>
    %dma_start3A_14 = tpu.memref_squeeze %dma_start3A_13 : memref<1x128xi32, #tpu.memory_space<vmem>> -> memref<128xi32, #tpu.memory_space<vmem>>
    %dma_start3A_15 = arith.constant 0 : i32
    %dma_start3A_16 = arith.constant 0 : i32
    %dma_start3A_17 = tpu.memref_slice %arg3[%dma_start3A, %dma_start3A_15, %dma_start3A_16] : memref<4x32x128xi32, #tpu.memory_space<hbm>> -> memref<1x32x128xi32, #tpu.memory_space<hbm>>
    %dma_start3A_18 = tpu.memref_squeeze %dma_start3A_17 : memref<1x32x128xi32, #tpu.memory_space<hbm>> -> memref<32x128xi32, #tpu.memory_space<hbm>>
    %dma_start3A_19 = arith.constant 0 : i32
    %dma_start3A_20 = tpu.memref_slice %dma_start3A_18[%add3A, %dma_start3A_19] : memref<32x128xi32, #tpu.memory_space<hbm>> -> memref<1x128xi32, #tpu.memory_space<hbm>>
    %dma_start3A_21 = tpu.memref_squeeze %dma_start3A_20 : memref<1x128xi32, #tpu.memory_space<hbm>> -> memref<128xi32, #tpu.memory_space<hbm>>
    tpu.enqueue_dma source(%dma_start3A_21 : memref<128xi32, #tpu.memory_space<hbm>>) target(%dma_start3A_14 : memref<128xi32, #tpu.memory_space<vmem>>) target_semaphore(%arg9 : memref<!tpu.dma_semaphore, #tpu.memory_space<semaphore_mem>>)
    %dma_start3A_22 = arith.constant 1 : i32
    %dma_start3A_23 = arith.constant 1 : i32
    %dma_start3A_24 = arith.constant 0 : i32
    %dma_start3A_25 = tpu.memref_slice %arg5[%dma_start3A_23, %dma_start3A_24] : memref<2x128xi32, #tpu.memory_space<vmem>> -> memref<1x128xi32, #tpu.memory_space<vmem>>
    %dma_start3A_26 = tpu.memref_squeeze %dma_start3A_25 : memref<1x128xi32, #tpu.memory_space<vmem>> -> memref<128xi32, #tpu.memory_space<vmem>>
    %dma_start3A_27 = arith.constant 0 : i32
    %dma_start3A_28 = arith.constant 0 : i32
    %dma_start3A_29 = tpu.memref_slice %arg3[%dma_start3A_22, %dma_start3A_27, %dma_start3A_28] : memref<4x32x128xi32, #tpu.memory_space<hbm>> -> memref<1x32x128xi32, #tpu.memory_space<hbm>>
    %dma_start3A_30 = tpu.memref_squeeze %dma_start3A_29 : memref<1x32x128xi32, #tpu.memory_space<hbm>> -> memref<32x128xi32, #tpu.memory_space<hbm>>
    %dma_start3A_31 = arith.constant 0 : i32
    %dma_start3A_32 = tpu.memref_slice %dma_start3A_30[%add3A, %dma_start3A_31] : memref<32x128xi32, #tpu.memory_space<hbm>> -> memref<1x128xi32, #tpu.memory_space<hbm>>
    %dma_start3A_33 = tpu.memref_squeeze %dma_start3A_32 : memref<1x128xi32, #tpu.memory_space<hbm>> -> memref<128xi32, #tpu.memory_space<hbm>>
    %dma_start3A_34 = arith.constant 0 : i32
    %dma_start3A_35 = tpu.memref_slice %arg5[%dma_start3A_23, %dma_start3A_34] : memref<2x128xi32, #tpu.memory_space<vmem>> -> memref<1x128xi32, #tpu.memory_space<vmem>>
    %dma_start3A_36 = tpu.memref_squeeze %dma_start3A_35 : memref<1x128xi32, #tpu.memory_space<vmem>> -> memref<128xi32, #tpu.memory_space<vmem>>
    %dma_start3A_37 = arith.constant 0 : i32
    %dma_start3A_38 = arith.constant 0 : i32
    %dma_start3A_39 = tpu.memref_slice %arg3[%dma_start3A_22, %dma_start3A_37, %dma_start3A_38] : memref<4x32x128xi32, #tpu.memory_space<hbm>> -> memref<1x32x128xi32, #tpu.memory_space<hbm>>
    %dma_start3A_40 = tpu.memref_squeeze %dma_start3A_39 : memref<1x32x128xi32, #tpu.memory_space<hbm>> -> memref<32x128xi32, #tpu.memory_space<hbm>>
    %dma_start3A_41 = arith.constant 0 : i32
    %dma_start3A_42 = tpu.memref_slice %dma_start3A_40[%add3A, %dma_start3A_41] : memref<32x128xi32, #tpu.memory_space<hbm>> -> memref<1x128xi32, #tpu.memory_space<hbm>>
    %dma_start3A_43 = tpu.memref_squeeze %dma_start3A_42 : memref<1x128xi32, #tpu.memory_space<hbm>> -> memref<128xi32, #tpu.memory_space<hbm>>
    tpu.enqueue_dma source(%dma_start3A_43 : memref<128xi32, #tpu.memory_space<hbm>>) target(%dma_start3A_36 : memref<128xi32, #tpu.memory_space<vmem>>) target_semaphore(%arg10 : memref<!tpu.dma_semaphore, #tpu.memory_space<semaphore_mem>>)
    %dma_wait3A = arith.constant 0 : i32
    %dma_wait3A_44 = arith.constant 0 : i32
    %dma_wait3A_45 = arith.constant 0 : i32
    %dma_wait3A_46 = tpu.memref_slice %arg5[%dma_wait3A_44, %dma_wait3A_45] : memref<2x128xi32, #tpu.memory_space<vmem>> -> memref<1x128xi32, #tpu.memory_space<vmem>>
    %dma_wait3A_47 = tpu.memref_squeeze %dma_wait3A_46 : memref<1x128xi32, #tpu.memory_space<vmem>> -> memref<128xi32, #tpu.memory_space<vmem>>
    %dma_wait3A_48 = arith.constant 0 : i32
    %dma_wait3A_49 = arith.constant 0 : i32
    %dma_wait3A_50 = tpu.memref_slice %arg3[%dma_wait3A, %dma_wait3A_48, %dma_wait3A_49] : memref<4x32x128xi32, #tpu.memory_space<hbm>> -> memref<1x32x128xi32, #tpu.memory_space<hbm>>
    %dma_wait3A_51 = tpu.memref_squeeze %dma_wait3A_50 : memref<1x32x128xi32, #tpu.memory_space<hbm>> -> memref<32x128xi32, #tpu.memory_space<hbm>>
    %dma_wait3A_52 = arith.constant 0 : i32
    %dma_wait3A_53 = tpu.memref_slice %dma_wait3A_51[%add3A, %dma_wait3A_52] : memref<32x128xi32, #tpu.memory_space<hbm>> -> memref<1x128xi32, #tpu.memory_space<hbm>>
    %dma_wait3A_54 = tpu.memref_squeeze %dma_wait3A_53 : memref<1x128xi32, #tpu.memory_space<hbm>> -> memref<128xi32, #tpu.memory_space<hbm>>
    %dma_wait3A_55 = arith.constant 0 : i32
    %dma_wait3A_56 = tpu.memref_slice %arg5[%dma_wait3A_44, %dma_wait3A_55] : memref<2x128xi32, #tpu.memory_space<vmem>> -> memref<1x128xi32, #tpu.memory_space<vmem>>
    %dma_wait3A_57 = tpu.memref_squeeze %dma_wait3A_56 : memref<1x128xi32, #tpu.memory_space<vmem>> -> memref<128xi32, #tpu.memory_space<vmem>>
    %dma_wait3A_58 = arith.constant 0 : i32
    %dma_wait3A_59 = arith.constant 0 : i32
    %dma_wait3A_60 = tpu.memref_slice %arg3[%dma_wait3A, %dma_wait3A_58, %dma_wait3A_59] : memref<4x32x128xi32, #tpu.memory_space<hbm>> -> memref<1x32x128xi32, #tpu.memory_space<hbm>>
    %dma_wait3A_61 = tpu.memref_squeeze %dma_wait3A_60 : memref<1x32x128xi32, #tpu.memory_space<hbm>> -> memref<32x128xi32, #tpu.memory_space<hbm>>
    %dma_wait3A_62 = arith.constant 0 : i32
    %dma_wait3A_63 = tpu.memref_slice %dma_wait3A_61[%add3A, %dma_wait3A_62] : memref<32x128xi32, #tpu.memory_space<hbm>> -> memref<1x128xi32, #tpu.memory_space<hbm>>
    %dma_wait3A_64 = tpu.memref_squeeze %dma_wait3A_63 : memref<1x128xi32, #tpu.memory_space<hbm>> -> memref<128xi32, #tpu.memory_space<hbm>>
    tpu.wait_dma2 semaphore(%arg9 : memref<!tpu.dma_semaphore, #tpu.memory_space<semaphore_mem>>) src(%dma_wait3A_64 : memref<128xi32, #tpu.memory_space<hbm>>) dst(%dma_wait3A_57 : memref<128xi32, #tpu.memory_space<vmem>>)
    %dma_start3A_65 = arith.constant 0 : i32
    %dma_start3A_66 = arith.constant 0 : i32
    %dma_start3A_67 = arith.constant 0 : i32
    %dma_start3A_68 = arith.constant 0 : i32
    %dma_start3A_69 = tpu.memref_slice %arg6[%dma_start3A_66, %dma_start3A_67, %dma_start3A_68] : memref<2x128x128xf32, #tpu.memory_space<vmem>> -> memref<1x128x128xf32, #tpu.memory_space<vmem>>
    %dma_start3A_70 = tpu.memref_squeeze %dma_start3A_69 : memref<1x128x128xf32, #tpu.memory_space<vmem>> -> memref<128x128xf32, #tpu.memory_space<vmem>>
    %dma_start3A_71 = arith.constant 0 : i32
    %dma_start3A_72 = tpu.memref_slice %arg5[%dma_start3A_65, %dma_start3A_71] : memref<2x128xi32, #tpu.memory_space<vmem>> -> memref<1x128xi32, #tpu.memory_space<vmem>>
    %dma_start3A_73 = tpu.memref_squeeze %dma_start3A_72 : memref<1x128xi32, #tpu.memory_space<vmem>> -> memref<128xi32, #tpu.memory_space<vmem>>
    %dma_start3A_74 = arith.constant 0 : i32
    %dma_start3A_75 = arith.constant 0 : i32
    %dma_start3A_76 = tpu.memref_slice %arg2[%dma_start3A_74, %dma_start3A_75] : memref<1000000x128xf32, #tpu.memory_space<hbm>> -> memref<1000000x128xf32, #tpu.memory_space<hbm>>
    tpu.enqueue_indirect_dma source(%dma_start3A_76 : memref<1000000x128xf32, #tpu.memory_space<hbm>>) target(%dma_start3A_70 : memref<128x128xf32, #tpu.memory_space<vmem>>) offsets(%dma_start3A_73 : memref<128xi32, #tpu.memory_space<vmem>>) semaphore(%arg7 : memref<!tpu.dma_semaphore, #tpu.memory_space<semaphore_mem>>)
    %dma_wait3A_77 = arith.constant 1 : i32
    %dma_wait3A_78 = arith.constant 1 : i32
    %dma_wait3A_79 = arith.constant 0 : i32
    %dma_wait3A_80 = tpu.memref_slice %arg5[%dma_wait3A_78, %dma_wait3A_79] : memref<2x128xi32, #tpu.memory_space<vmem>> -> memref<1x128xi32, #tpu.memory_space<vmem>>
    %dma_wait3A_81 = tpu.memref_squeeze %dma_wait3A_80 : memref<1x128xi32, #tpu.memory_space<vmem>> -> memref<128xi32, #tpu.memory_space<vmem>>
    %dma_wait3A_82 = arith.constant 0 : i32
    %dma_wait3A_83 = arith.constant 0 : i32
    %dma_wait3A_84 = tpu.memref_slice %arg3[%dma_wait3A_77, %dma_wait3A_82, %dma_wait3A_83] : memref<4x32x128xi32, #tpu.memory_space<hbm>> -> memref<1x32x128xi32, #tpu.memory_space<hbm>>
    %dma_wait3A_85 = tpu.memref_squeeze %dma_wait3A_84 : memref<1x32x128xi32, #tpu.memory_space<hbm>> -> memref<32x128xi32, #tpu.memory_space<hbm>>
    %dma_wait3A_86 = arith.constant 0 : i32
    %dma_wait3A_87 = tpu.memref_slice %dma_wait3A_85[%add3A, %dma_wait3A_86] : memref<32x128xi32, #tpu.memory_space<hbm>> -> memref<1x128xi32, #tpu.memory_space<hbm>>
    %dma_wait3A_88 = tpu.memref_squeeze %dma_wait3A_87 : memref<1x128xi32, #tpu.memory_space<hbm>> -> memref<128xi32, #tpu.memory_space<hbm>>
    %dma_wait3A_89 = arith.constant 0 : i32
    %dma_wait3A_90 = tpu.memref_slice %arg5[%dma_wait3A_78, %dma_wait3A_89] : memref<2x128xi32, #tpu.memory_space<vmem>> -> memref<1x128xi32, #tpu.memory_space<vmem>>
    %dma_wait3A_91 = tpu.memref_squeeze %dma_wait3A_90 : memref<1x128xi32, #tpu.memory_space<vmem>> -> memref<128xi32, #tpu.memory_space<vmem>>
    %dma_wait3A_92 = arith.constant 0 : i32
    %dma_wait3A_93 = arith.constant 0 : i32
    %dma_wait3A_94 = tpu.memref_slice %arg3[%dma_wait3A_77, %dma_wait3A_92, %dma_wait3A_93] : memref<4x32x128xi32, #tpu.memory_space<hbm>> -> memref<1x32x128xi32, #tpu.memory_space<hbm>>
    %dma_wait3A_95 = tpu.memref_squeeze %dma_wait3A_94 : memref<1x32x128xi32, #tpu.memory_space<hbm>> -> memref<32x128xi32, #tpu.memory_space<hbm>>
    %dma_wait3A_96 = arith.constant 0 : i32
    %dma_wait3A_97 = tpu.memref_slice %dma_wait3A_95[%add3A, %dma_wait3A_96] : memref<32x128xi32, #tpu.memory_space<hbm>> -> memref<1x128xi32, #tpu.memory_space<hbm>>
    %dma_wait3A_98 = tpu.memref_squeeze %dma_wait3A_97 : memref<1x128xi32, #tpu.memory_space<hbm>> -> memref<128xi32, #tpu.memory_space<hbm>>
    tpu.wait_dma2 semaphore(%arg10 : memref<!tpu.dma_semaphore, #tpu.memory_space<semaphore_mem>>) src(%dma_wait3A_98 : memref<128xi32, #tpu.memory_space<hbm>>) dst(%dma_wait3A_91 : memref<128xi32, #tpu.memory_space<vmem>>)
    %dma_start3A_99 = arith.constant 1 : i32
    %dma_start3A_100 = arith.constant 1 : i32
    %dma_start3A_101 = arith.constant 0 : i32
    %dma_start3A_102 = arith.constant 0 : i32
    %dma_start3A_103 = tpu.memref_slice %arg6[%dma_start3A_100, %dma_start3A_101, %dma_start3A_102] : memref<2x128x128xf32, #tpu.memory_space<vmem>> -> memref<1x128x128xf32, #tpu.memory_space<vmem>>
    %dma_start3A_104 = tpu.memref_squeeze %dma_start3A_103 : memref<1x128x128xf32, #tpu.memory_space<vmem>> -> memref<128x128xf32, #tpu.memory_space<vmem>>
    %dma_start3A_105 = arith.constant 0 : i32
    %dma_start3A_106 = tpu.memref_slice %arg5[%dma_start3A_99, %dma_start3A_105] : memref<2x128xi32, #tpu.memory_space<vmem>> -> memref<1x128xi32, #tpu.memory_space<vmem>>
    %dma_start3A_107 = tpu.memref_squeeze %dma_start3A_106 : memref<1x128xi32, #tpu.memory_space<vmem>> -> memref<128xi32, #tpu.memory_space<vmem>>
    %dma_start3A_108 = arith.constant 0 : i32
    %dma_start3A_109 = arith.constant 0 : i32
    %dma_start3A_110 = tpu.memref_slice %arg2[%dma_start3A_108, %dma_start3A_109] : memref<1000000x128xf32, #tpu.memory_space<hbm>> -> memref<1000000x128xf32, #tpu.memory_space<hbm>>
    tpu.enqueue_indirect_dma source(%dma_start3A_110 : memref<1000000x128xf32, #tpu.memory_space<hbm>>) target(%dma_start3A_104 : memref<128x128xf32, #tpu.memory_space<vmem>>) offsets(%dma_start3A_107 : memref<128xi32, #tpu.memory_space<vmem>>) semaphore(%arg8 : memref<!tpu.dma_semaphore, #tpu.memory_space<semaphore_mem>>)
    %dma_wait3A_111 = arith.constant 0 : i32
    %dma_wait3A_112 = arith.constant 0 : i32
    %dma_wait3A_113 = arith.constant 0 : i32
    %dma_wait3A_114 = arith.constant 0 : i32
    %dma_wait3A_115 = tpu.memref_slice %arg6[%dma_wait3A_112, %dma_wait3A_113, %dma_wait3A_114] : memref<2x128x128xf32, #tpu.memory_space<vmem>> -> memref<1x128x128xf32, #tpu.memory_space<vmem>>
    %dma_wait3A_116 = tpu.memref_squeeze %dma_wait3A_115 : memref<1x128x128xf32, #tpu.memory_space<vmem>> -> memref<128x128xf32, #tpu.memory_space<vmem>>
    %dma_wait3A_117 = arith.constant 0 : i32
    %dma_wait3A_118 = tpu.memref_slice %arg5[%dma_wait3A_111, %dma_wait3A_117] : memref<2x128xi32, #tpu.memory_space<vmem>> -> memref<1x128xi32, #tpu.memory_space<vmem>>
    %dma_wait3A_119 = tpu.memref_squeeze %dma_wait3A_118 : memref<1x128xi32, #tpu.memory_space<vmem>> -> memref<128xi32, #tpu.memory_space<vmem>>
    %dma_wait3A_120 = arith.constant 0 : i32
    %dma_wait3A_121 = arith.constant 0 : i32
    %dma_wait3A_122 = tpu.memref_slice %arg2[%dma_wait3A_120, %dma_wait3A_121] : memref<1000000x128xf32, #tpu.memory_space<hbm>> -> memref<1000000x128xf32, #tpu.memory_space<hbm>>
    tpu.wait_indirect_dma semaphore(%arg7 : memref<!tpu.dma_semaphore, #tpu.memory_space<semaphore_mem>>) src(%dma_wait3A_122 : memref<1000000x128xf32, #tpu.memory_space<hbm>>) dst(%dma_wait3A_116 : memref<128x128xf32, #tpu.memory_space<vmem>>)
    %dma_start3A_123 = arith.constant 0 : i32
    %dma_start3A_124 = arith.constant 0 : i32
    %dma_start3A_125 = arith.constant 0 : i32
    %dma_start3A_126 = arith.constant 0 : i32
    %dma_start3A_127 = tpu.memref_slice %arg6[%dma_start3A_123, %dma_start3A_125, %dma_start3A_126] : memref<2x128x128xf32, #tpu.memory_space<vmem>> -> memref<1x128x128xf32, #tpu.memory_space<vmem>>
    %dma_start3A_128 = tpu.memref_squeeze %dma_start3A_127 : memref<1x128x128xf32, #tpu.memory_space<vmem>> -> memref<128x128xf32, #tpu.memory_space<vmem>>
    %dma_start3A_129 = arith.constant 0 : i32
    %dma_start3A_130 = arith.constant 0 : i32
    %dma_start3A_131 = arith.constant 0 : i32
    %dma_start3A_132 = tpu.memref_slice %arg4[%dma_start3A_124, %dma_start3A_129, %dma_start3A_130, %dma_start3A_131] : memref<2x32x128x128xf32, #tpu.memory_space<hbm>> -> memref<1x32x128x128xf32, #tpu.memory_space<hbm>>
    %dma_start3A_133 = tpu.memref_squeeze %dma_start3A_132 : memref<1x32x128x128xf32, #tpu.memory_space<hbm>> -> memref<32x128x128xf32, #tpu.memory_space<hbm>>
    %dma_start3A_134 = arith.constant 0 : i32
    %dma_start3A_135 = arith.constant 0 : i32
    %dma_start3A_136 = tpu.memref_slice %dma_start3A_133[%add3A, %dma_start3A_134, %dma_start3A_135] : memref<32x128x128xf32, #tpu.memory_space<hbm>> -> memref<1x128x128xf32, #tpu.memory_space<hbm>>
    %dma_start3A_137 = tpu.memref_squeeze %dma_start3A_136 : memref<1x128x128xf32, #tpu.memory_space<hbm>> -> memref<128x128xf32, #tpu.memory_space<hbm>>
    %dma_start3A_138 = arith.constant 0 : i32
    %dma_start3A_139 = arith.constant 0 : i32
    %dma_start3A_140 = arith.constant 0 : i32
    %dma_start3A_141 = tpu.memref_slice %arg4[%dma_start3A_124, %dma_start3A_138, %dma_start3A_139, %dma_start3A_140] : memref<2x32x128x128xf32, #tpu.memory_space<hbm>> -> memref<1x32x128x128xf32, #tpu.memory_space<hbm>>
    %dma_start3A_142 = tpu.memref_squeeze %dma_start3A_141 : memref<1x32x128x128xf32, #tpu.memory_space<hbm>> -> memref<32x128x128xf32, #tpu.memory_space<hbm>>
    %dma_start3A_143 = arith.constant 0 : i32
    %dma_start3A_144 = arith.constant 0 : i32
    %dma_start3A_145 = tpu.memref_slice %dma_start3A_142[%add3A, %dma_start3A_143, %dma_start3A_144] : memref<32x128x128xf32, #tpu.memory_space<hbm>> -> memref<1x128x128xf32, #tpu.memory_space<hbm>>
    %dma_start3A_146 = tpu.memref_squeeze %dma_start3A_145 : memref<1x128x128xf32, #tpu.memory_space<hbm>> -> memref<128x128xf32, #tpu.memory_space<hbm>>
    %dma_start3A_147 = arith.constant 0 : i32
    %dma_start3A_148 = arith.constant 0 : i32
    %dma_start3A_149 = tpu.memref_slice %arg6[%dma_start3A_123, %dma_start3A_147, %dma_start3A_148] : memref<2x128x128xf32, #tpu.memory_space<vmem>> -> memref<1x128x128xf32, #tpu.memory_space<vmem>>
    %dma_start3A_150 = tpu.memref_squeeze %dma_start3A_149 : memref<1x128x128xf32, #tpu.memory_space<vmem>> -> memref<128x128xf32, #tpu.memory_space<vmem>>
    tpu.enqueue_dma source(%dma_start3A_150 : memref<128x128xf32, #tpu.memory_space<vmem>>) target(%dma_start3A_146 : memref<128x128xf32, #tpu.memory_space<hbm>>) target_semaphore(%arg9 : memref<!tpu.dma_semaphore, #tpu.memory_space<semaphore_mem>>)
    %dma_wait3A_151 = arith.constant 1 : i32
    %dma_wait3A_152 = arith.constant 1 : i32
    %dma_wait3A_153 = arith.constant 0 : i32
    %dma_wait3A_154 = arith.constant 0 : i32
    %dma_wait3A_155 = tpu.memref_slice %arg6[%dma_wait3A_152, %dma_wait3A_153, %dma_wait3A_154] : memref<2x128x128xf32, #tpu.memory_space<vmem>> -> memref<1x128x128xf32, #tpu.memory_space<vmem>>
    %dma_wait3A_156 = tpu.memref_squeeze %dma_wait3A_155 : memref<1x128x128xf32, #tpu.memory_space<vmem>> -> memref<128x128xf32, #tpu.memory_space<vmem>>
    %dma_wait3A_157 = arith.constant 0 : i32
    %dma_wait3A_158 = tpu.memref_slice %arg5[%dma_wait3A_151, %dma_wait3A_157] : memref<2x128xi32, #tpu.memory_space<vmem>> -> memref<1x128xi32, #tpu.memory_space<vmem>>
    %dma_wait3A_159 = tpu.memref_squeeze %dma_wait3A_158 : memref<1x128xi32, #tpu.memory_space<vmem>> -> memref<128xi32, #tpu.memory_space<vmem>>
    %dma_wait3A_160 = arith.constant 0 : i32
    %dma_wait3A_161 = arith.constant 0 : i32
    %dma_wait3A_162 = tpu.memref_slice %arg2[%dma_wait3A_160, %dma_wait3A_161] : memref<1000000x128xf32, #tpu.memory_space<hbm>> -> memref<1000000x128xf32, #tpu.memory_space<hbm>>
    tpu.wait_indirect_dma semaphore(%arg8 : memref<!tpu.dma_semaphore, #tpu.memory_space<semaphore_mem>>) src(%dma_wait3A_162 : memref<1000000x128xf32, #tpu.memory_space<hbm>>) dst(%dma_wait3A_156 : memref<128x128xf32, #tpu.memory_space<vmem>>)
    %dma_start3A_163 = arith.constant 1 : i32
    %dma_start3A_164 = arith.constant 1 : i32
    %dma_start3A_165 = arith.constant 0 : i32
    %dma_start3A_166 = arith.constant 0 : i32
    %dma_start3A_167 = tpu.memref_slice %arg6[%dma_start3A_163, %dma_start3A_165, %dma_start3A_166] : memref<2x128x128xf32, #tpu.memory_space<vmem>> -> memref<1x128x128xf32, #tpu.memory_space<vmem>>
    %dma_start3A_168 = tpu.memref_squeeze %dma_start3A_167 : memref<1x128x128xf32, #tpu.memory_space<vmem>> -> memref<128x128xf32, #tpu.memory_space<vmem>>
    %dma_start3A_169 = arith.constant 0 : i32
    %dma_start3A_170 = arith.constant 0 : i32
    %dma_start3A_171 = arith.constant 0 : i32
    %dma_start3A_172 = tpu.memref_slice %arg4[%dma_start3A_164, %dma_start3A_169, %dma_start3A_170, %dma_start3A_171] : memref<2x32x128x128xf32, #tpu.memory_space<hbm>> -> memref<1x32x128x128xf32, #tpu.memory_space<hbm>>
    %dma_start3A_173 = tpu.memref_squeeze %dma_start3A_172 : memref<1x32x128x128xf32, #tpu.memory_space<hbm>> -> memref<32x128x128xf32, #tpu.memory_space<hbm>>
    %dma_start3A_174 = arith.constant 0 : i32
    %dma_start3A_175 = arith.constant 0 : i32
    %dma_start3A_176 = tpu.memref_slice %dma_start3A_173[%add3A, %dma_start3A_174, %dma_start3A_175] : memref<32x128x128xf32, #tpu.memory_space<hbm>> -> memref<1x128x128xf32, #tpu.memory_space<hbm>>
    %dma_start3A_177 = tpu.memref_squeeze %dma_start3A_176 : memref<1x128x128xf32, #tpu.memory_space<hbm>> -> memref<128x128xf32, #tpu.memory_space<hbm>>
    %dma_start3A_178 = arith.constant 0 : i32
    %dma_start3A_179 = arith.constant 0 : i32
    %dma_start3A_180 = arith.constant 0 : i32
    %dma_start3A_181 = tpu.memref_slice %arg4[%dma_start3A_164, %dma_start3A_178, %dma_start3A_179, %dma_start3A_180] : memref<2x32x128x128xf32, #tpu.memory_space<hbm>> -> memref<1x32x128x128xf32, #tpu.memory_space<hbm>>
    %dma_start3A_182 = tpu.memref_squeeze %dma_start3A_181 : memref<1x32x128x128xf32, #tpu.memory_space<hbm>> -> memref<32x128x128xf32, #tpu.memory_space<hbm>>
    %dma_start3A_183 = arith.constant 0 : i32
    %dma_start3A_184 = arith.constant 0 : i32
    %dma_start3A_185 = tpu.memref_slice %dma_start3A_182[%add3A, %dma_start3A_183, %dma_start3A_184] : memref<32x128x128xf32, #tpu.memory_space<hbm>> -> memref<1x128x128xf32, #tpu.memory_space<hbm>>
    %dma_start3A_186 = tpu.memref_squeeze %dma_start3A_185 : memref<1x128x128xf32, #tpu.memory_space<hbm>> -> memref<128x128xf32, #tpu.memory_space<hbm>>
    %dma_start3A_187 = arith.constant 0 : i32
    %dma_start3A_188 = arith.constant 0 : i32
    %dma_start3A_189 = tpu.memref_slice %arg6[%dma_start3A_163, %dma_start3A_187, %dma_start3A_188] : memref<2x128x128xf32, #tpu.memory_space<vmem>> -> memref<1x128x128xf32, #tpu.memory_space<vmem>>
    %dma_start3A_190 = tpu.memref_squeeze %dma_start3A_189 : memref<1x128x128xf32, #tpu.memory_space<vmem>> -> memref<128x128xf32, #tpu.memory_space<vmem>>
    tpu.enqueue_dma source(%dma_start3A_190 : memref<128x128xf32, #tpu.memory_space<vmem>>) target(%dma_start3A_186 : memref<128x128xf32, #tpu.memory_space<hbm>>) target_semaphore(%arg10 : memref<!tpu.dma_semaphore, #tpu.memory_space<semaphore_mem>>)
    %dma_wait3A_191 = arith.constant 0 : i32
    %dma_wait3A_192 = arith.constant 0 : i32
    %dma_wait3A_193 = arith.constant 0 : i32
    %dma_wait3A_194 = arith.constant 0 : i32
    %dma_wait3A_195 = tpu.memref_slice %arg6[%dma_wait3A_191, %dma_wait3A_193, %dma_wait3A_194] : memref<2x128x128xf32, #tpu.memory_space<vmem>> -> memref<1x128x128xf32, #tpu.memory_space<vmem>>
    %dma_wait3A_196 = tpu.memref_squeeze %dma_wait3A_195 : memref<1x128x128xf32, #tpu.memory_space<vmem>> -> memref<128x128xf32, #tpu.memory_space<vmem>>
    %dma_wait3A_197 = arith.constant 0 : i32
    %dma_wait3A_198 = arith.constant 0 : i32
    %dma_wait3A_199 = arith.constant 0 : i32
    %dma_wait3A_200 = tpu.memref_slice %arg4[%dma_wait3A_192, %dma_wait3A_197, %dma_wait3A_198, %dma_wait3A_199] : memref<2x32x128x128xf32, #tpu.memory_space<hbm>> -> memref<1x32x128x128xf32, #tpu.memory_space<hbm>>
    %dma_wait3A_201 = tpu.memref_squeeze %dma_wait3A_200 : memref<1x32x128x128xf32, #tpu.memory_space<hbm>> -> memref<32x128x128xf32, #tpu.memory_space<hbm>>
    %dma_wait3A_202 = arith.constant 0 : i32
    %dma_wait3A_203 = arith.constant 0 : i32
    %dma_wait3A_204 = tpu.memref_slice %dma_wait3A_201[%add3A, %dma_wait3A_202, %dma_wait3A_203] : memref<32x128x128xf32, #tpu.memory_space<hbm>> -> memref<1x128x128xf32, #tpu.memory_space<hbm>>
    %dma_wait3A_205 = tpu.memref_squeeze %dma_wait3A_204 : memref<1x128x128xf32, #tpu.memory_space<hbm>> -> memref<128x128xf32, #tpu.memory_space<hbm>>
    %dma_wait3A_206 = arith.constant 0 : i32
    %dma_wait3A_207 = arith.constant 0 : i32
    %dma_wait3A_208 = arith.constant 0 : i32
    %dma_wait3A_209 = tpu.memref_slice %arg4[%dma_wait3A_192, %dma_wait3A_206, %dma_wait3A_207, %dma_wait3A_208] : memref<2x32x128x128xf32, #tpu.memory_space<hbm>> -> memref<1x32x128x128xf32, #tpu.memory_space<hbm>>
    %dma_wait3A_210 = tpu.memref_squeeze %dma_wait3A_209 : memref<1x32x128x128xf32, #tpu.memory_space<hbm>> -> memref<32x128x128xf32, #tpu.memory_space<hbm>>
    %dma_wait3A_211 = arith.constant 0 : i32
    %dma_wait3A_212 = arith.constant 0 : i32
    %dma_wait3A_213 = tpu.memref_slice %dma_wait3A_210[%add3A, %dma_wait3A_211, %dma_wait3A_212] : memref<32x128x128xf32, #tpu.memory_space<hbm>> -> memref<1x128x128xf32, #tpu.memory_space<hbm>>
    %dma_wait3A_214 = tpu.memref_squeeze %dma_wait3A_213 : memref<1x128x128xf32, #tpu.memory_space<hbm>> -> memref<128x128xf32, #tpu.memory_space<hbm>>
    %dma_wait3A_215 = arith.constant 0 : i32
    %dma_wait3A_216 = arith.constant 0 : i32
    %dma_wait3A_217 = tpu.memref_slice %arg6[%dma_wait3A_191, %dma_wait3A_215, %dma_wait3A_216] : memref<2x128x128xf32, #tpu.memory_space<vmem>> -> memref<1x128x128xf32, #tpu.memory_space<vmem>>
    %dma_wait3A_218 = tpu.memref_squeeze %dma_wait3A_217 : memref<1x128x128xf32, #tpu.memory_space<vmem>> -> memref<128x128xf32, #tpu.memory_space<vmem>>
    tpu.wait_dma2 semaphore(%arg9 : memref<!tpu.dma_semaphore, #tpu.memory_space<semaphore_mem>>) src(%dma_wait3A_218 : memref<128x128xf32, #tpu.memory_space<vmem>>) dst(%dma_wait3A_214 : memref<128x128xf32, #tpu.memory_space<hbm>>)
    %dma_wait3A_219 = arith.constant 1 : i32
    %dma_wait3A_220 = arith.constant 1 : i32
    %dma_wait3A_221 = arith.constant 0 : i32
    %dma_wait3A_222 = arith.constant 0 : i32
    %dma_wait3A_223 = tpu.memref_slice %arg6[%dma_wait3A_219, %dma_wait3A_221, %dma_wait3A_222] : memref<2x128x128xf32, #tpu.memory_space<vmem>> -> memref<1x128x128xf32, #tpu.memory_space<vmem>>
    %dma_wait3A_224 = tpu.memref_squeeze %dma_wait3A_223 : memref<1x128x128xf32, #tpu.memory_space<vmem>> -> memref<128x128xf32, #tpu.memory_space<vmem>>
    %dma_wait3A_225 = arith.constant 0 : i32
    %dma_wait3A_226 = arith.constant 0 : i32
    %dma_wait3A_227 = arith.constant 0 : i32
    %dma_wait3A_228 = tpu.memref_slice %arg4[%dma_wait3A_220, %dma_wait3A_225, %dma_wait3A_226, %dma_wait3A_227] : memref<2x32x128x128xf32, #tpu.memory_space<hbm>> -> memref<1x32x128x128xf32, #tpu.memory_space<hbm>>
    %dma_wait3A_229 = tpu.memref_squeeze %dma_wait3A_228 : memref<1x32x128x128xf32, #tpu.memory_space<hbm>> -> memref<32x128x128xf32, #tpu.memory_space<hbm>>
    %dma_wait3A_230 = arith.constant 0 : i32
    %dma_wait3A_231 = arith.constant 0 : i32
    %dma_wait3A_232 = tpu.memref_slice %dma_wait3A_229[%add3A, %dma_wait3A_230, %dma_wait3A_231] : memref<32x128x128xf32, #tpu.memory_space<hbm>> -> memref<1x128x128xf32, #tpu.memory_space<hbm>>
    %dma_wait3A_233 = tpu.memref_squeeze %dma_wait3A_232 : memref<1x128x128xf32, #tpu.memory_space<hbm>> -> memref<128x128xf32, #tpu.memory_space<hbm>>
    %dma_wait3A_234 = arith.constant 0 : i32
    %dma_wait3A_235 = arith.constant 0 : i32
    %dma_wait3A_236 = arith.constant 0 : i32
    %dma_wait3A_237 = tpu.memref_slice %arg4[%dma_wait3A_220, %dma_wait3A_234, %dma_wait3A_235, %dma_wait3A_236] : memref<2x32x128x128xf32, #tpu.memory_space<hbm>> -> memref<1x32x128x128xf32, #tpu.memory_space<hbm>>
    %dma_wait3A_238 = tpu.memref_squeeze %dma_wait3A_237 : memref<1x32x128x128xf32, #tpu.memory_space<hbm>> -> memref<32x128x128xf32, #tpu.memory_space<hbm>>
    %dma_wait3A_239 = arith.constant 0 : i32
    %dma_wait3A_240 = arith.constant 0 : i32
    %dma_wait3A_241 = tpu.memref_slice %dma_wait3A_238[%add3A, %dma_wait3A_239, %dma_wait3A_240] : memref<32x128x128xf32, #tpu.memory_space<hbm>> -> memref<1x128x128xf32, #tpu.memory_space<hbm>>
    %dma_wait3A_242 = tpu.memref_squeeze %dma_wait3A_241 : memref<1x128x128xf32, #tpu.memory_space<hbm>> -> memref<128x128xf32, #tpu.memory_space<hbm>>
    %dma_wait3A_243 = arith.constant 0 : i32
    %dma_wait3A_244 = arith.constant 0 : i32
    %dma_wait3A_245 = tpu.memref_slice %arg6[%dma_wait3A_219, %dma_wait3A_243, %dma_wait3A_244] : memref<2x128x128xf32, #tpu.memory_space<vmem>> -> memref<1x128x128xf32, #tpu.memory_space<vmem>>
    %dma_wait3A_246 = tpu.memref_squeeze %dma_wait3A_245 : memref<1x128x128xf32, #tpu.memory_space<vmem>> -> memref<128x128xf32, #tpu.memory_space<vmem>>
    tpu.wait_dma2 semaphore(%arg10 : memref<!tpu.dma_semaphore, #tpu.memory_space<semaphore_mem>>) src(%dma_wait3A_246 : memref<128x128xf32, #tpu.memory_space<vmem>>) dst(%dma_wait3A_242 : memref<128x128xf32, #tpu.memory_space<hbm>>)
    return
  }
}

#map = affine_map<(d0, d1) -> (0, 0)>
#map1 = affine_map<(d0, d1) -> (0, 0, 0)>
#map2 = affine_map<(d0, d1) -> (0, 0, 0, 0)>
module attributes {stable_mosaic.version = 14 : i64} {
  func.func @_gather_body(%arg0: i32, %arg1: i32, %arg2: memref<1000000x128xf32, #tpu.memory_space<hbm>>, %arg3: memref<4x32x128xi32, #tpu.memory_space<hbm>>, %arg4: memref<2x32x128x128xf32, #tpu.memory_space<hbm>>, %arg5: memref<2x128xi32, #tpu.memory_space<vmem>>, %arg6: memref<2x128x128xf32, #tpu.memory_space<vmem>>, %arg7: memref<!tpu.dma_semaphore, #tpu.memory_space<semaphore_mem>>, %arg8: memref<!tpu.dma_semaphore, #tpu.memory_space<semaphore_mem>>, %arg9: memref<!tpu.dma_semaphore, #tpu.memory_space<semaphore_mem>>, %arg10: memref<!tpu.dma_semaphore, #tpu.memory_space<semaphore_mem>>) attributes {dimension_semantics = [#tpu.dimension_semantics<core_parallel>, #tpu.dimension_semantics<subcore_parallel>], iteration_bounds = array<i64: 2, 16>, scalar_prefetch = 0 : i64, scratch_operands = 6 : i64, tpu.core_type = #tpu.core_type<sc_vector_subcore>, window_params = [{transform_indices = #map}, {transform_indices = #map1}, {transform_indices = #map2}]} {
    %mul3A = arith.constant 2 : i32
    %mul3A_0 = arith.muli %arg1, %mul3A : i32
    %add3A = arith.addi %mul3A_0, %arg0 : i32
    %dma_start3A = arith.constant 2 : i32
    %dma_start3A_1 = arith.constant 0 : i32
    %dma_start3A_2 = arith.constant 0 : i32
    %dma_start3A_3 = tpu.memref_slice %arg5[%dma_start3A_1, %dma_start3A_2] : memref<2x128xi32, #tpu.memory_space<vmem>> -> memref<1x128xi32, #tpu.memory_space<vmem>>
    %dma_start3A_4 = tpu.memref_squeeze %dma_start3A_3 : memref<1x128xi32, #tpu.memory_space<vmem>> -> memref<128xi32, #tpu.memory_space<vmem>>
    %dma_start3A_5 = arith.constant 0 : i32
    %dma_start3A_6 = arith.constant 0 : i32
    %dma_start3A_7 = tpu.memref_slice %arg3[%dma_start3A, %dma_start3A_5, %dma_start3A_6] : memref<4x32x128xi32, #tpu.memory_space<hbm>> -> memref<1x32x128xi32, #tpu.memory_space<hbm>>
    %dma_start3A_8 = tpu.memref_squeeze %dma_start3A_7 : memref<1x32x128xi32, #tpu.memory_space<hbm>> -> memref<32x128xi32, #tpu.memory_space<hbm>>
    %dma_start3A_9 = arith.constant 0 : i32
    %dma_start3A_10 = tpu.memref_slice %dma_start3A_8[%add3A, %dma_start3A_9] : memref<32x128xi32, #tpu.memory_space<hbm>> -> memref<1x128xi32, #tpu.memory_space<hbm>>
    %dma_start3A_11 = tpu.memref_squeeze %dma_start3A_10 : memref<1x128xi32, #tpu.memory_space<hbm>> -> memref<128xi32, #tpu.memory_space<hbm>>
    %dma_start3A_12 = arith.constant 0 : i32
    %dma_start3A_13 = tpu.memref_slice %arg5[%dma_start3A_1, %dma_start3A_12] : memref<2x128xi32, #tpu.memory_space<vmem>> -> memref<1x128xi32, #tpu.memory_space<vmem>>
    %dma_start3A_14 = tpu.memref_squeeze %dma_start3A_13 : memref<1x128xi32, #tpu.memory_space<vmem>> -> memref<128xi32, #tpu.memory_space<vmem>>
    %dma_start3A_15 = arith.constant 0 : i32
    %dma_start3A_16 = arith.constant 0 : i32
    %dma_start3A_17 = tpu.memref_slice %arg3[%dma_start3A, %dma_start3A_15, %dma_start3A_16] : memref<4x32x128xi32, #tpu.memory_space<hbm>> -> memref<1x32x128xi32, #tpu.memory_space<hbm>>
    %dma_start3A_18 = tpu.memref_squeeze %dma_start3A_17 : memref<1x32x128xi32, #tpu.memory_space<hbm>> -> memref<32x128xi32, #tpu.memory_space<hbm>>
    %dma_start3A_19 = arith.constant 0 : i32
    %dma_start3A_20 = tpu.memref_slice %dma_start3A_18[%add3A, %dma_start3A_19] : memref<32x128xi32, #tpu.memory_space<hbm>> -> memref<1x128xi32, #tpu.memory_space<hbm>>
    %dma_start3A_21 = tpu.memref_squeeze %dma_start3A_20 : memref<1x128xi32, #tpu.memory_space<hbm>> -> memref<128xi32, #tpu.memory_space<hbm>>
    tpu.enqueue_dma source(%dma_start3A_21 : memref<128xi32, #tpu.memory_space<hbm>>) target(%dma_start3A_14 : memref<128xi32, #tpu.memory_space<vmem>>) target_semaphore(%arg9 : memref<!tpu.dma_semaphore, #tpu.memory_space<semaphore_mem>>)
    %dma_start3A_22 = arith.constant 3 : i32
    %dma_start3A_23 = arith.constant 1 : i32
    %dma_start3A_24 = arith.constant 0 : i32
    %dma_start3A_25 = tpu.memref_slice %arg5[%dma_start3A_23, %dma_start3A_24] : memref<2x128xi32, #tpu.memory_space<vmem>> -> memref<1x128xi32, #tpu.memory_space<vmem>>
    %dma_start3A_26 = tpu.memref_squeeze %dma_start3A_25 : memref<1x128xi32, #tpu.memory_space<vmem>> -> memref<128xi32, #tpu.memory_space<vmem>>
    %dma_start3A_27 = arith.constant 0 : i32
    %dma_start3A_28 = arith.constant 0 : i32
    %dma_start3A_29 = tpu.memref_slice %arg3[%dma_start3A_22, %dma_start3A_27, %dma_start3A_28] : memref<4x32x128xi32, #tpu.memory_space<hbm>> -> memref<1x32x128xi32, #tpu.memory_space<hbm>>
    %dma_start3A_30 = tpu.memref_squeeze %dma_start3A_29 : memref<1x32x128xi32, #tpu.memory_space<hbm>> -> memref<32x128xi32, #tpu.memory_space<hbm>>
    %dma_start3A_31 = arith.constant 0 : i32
    %dma_start3A_32 = tpu.memref_slice %dma_start3A_30[%add3A, %dma_start3A_31] : memref<32x128xi32, #tpu.memory_space<hbm>> -> memref<1x128xi32, #tpu.memory_space<hbm>>
    %dma_start3A_33 = tpu.memref_squeeze %dma_start3A_32 : memref<1x128xi32, #tpu.memory_space<hbm>> -> memref<128xi32, #tpu.memory_space<hbm>>
    %dma_start3A_34 = arith.constant 0 : i32
    %dma_start3A_35 = tpu.memref_slice %arg5[%dma_start3A_23, %dma_start3A_34] : memref<2x128xi32, #tpu.memory_space<vmem>> -> memref<1x128xi32, #tpu.memory_space<vmem>>
    %dma_start3A_36 = tpu.memref_squeeze %dma_start3A_35 : memref<1x128xi32, #tpu.memory_space<vmem>> -> memref<128xi32, #tpu.memory_space<vmem>>
    %dma_start3A_37 = arith.constant 0 : i32
    %dma_start3A_38 = arith.constant 0 : i32
    %dma_start3A_39 = tpu.memref_slice %arg3[%dma_start3A_22, %dma_start3A_37, %dma_start3A_38] : memref<4x32x128xi32, #tpu.memory_space<hbm>> -> memref<1x32x128xi32, #tpu.memory_space<hbm>>
    %dma_start3A_40 = tpu.memref_squeeze %dma_start3A_39 : memref<1x32x128xi32, #tpu.memory_space<hbm>> -> memref<32x128xi32, #tpu.memory_space<hbm>>
    %dma_start3A_41 = arith.constant 0 : i32
    %dma_start3A_42 = tpu.memref_slice %dma_start3A_40[%add3A, %dma_start3A_41] : memref<32x128xi32, #tpu.memory_space<hbm>> -> memref<1x128xi32, #tpu.memory_space<hbm>>
    %dma_start3A_43 = tpu.memref_squeeze %dma_start3A_42 : memref<1x128xi32, #tpu.memory_space<hbm>> -> memref<128xi32, #tpu.memory_space<hbm>>
    tpu.enqueue_dma source(%dma_start3A_43 : memref<128xi32, #tpu.memory_space<hbm>>) target(%dma_start3A_36 : memref<128xi32, #tpu.memory_space<vmem>>) target_semaphore(%arg10 : memref<!tpu.dma_semaphore, #tpu.memory_space<semaphore_mem>>)
    %dma_wait3A = arith.constant 2 : i32
    %dma_wait3A_44 = arith.constant 0 : i32
    %dma_wait3A_45 = arith.constant 0 : i32
    %dma_wait3A_46 = tpu.memref_slice %arg5[%dma_wait3A_44, %dma_wait3A_45] : memref<2x128xi32, #tpu.memory_space<vmem>> -> memref<1x128xi32, #tpu.memory_space<vmem>>
    %dma_wait3A_47 = tpu.memref_squeeze %dma_wait3A_46 : memref<1x128xi32, #tpu.memory_space<vmem>> -> memref<128xi32, #tpu.memory_space<vmem>>
    %dma_wait3A_48 = arith.constant 0 : i32
    %dma_wait3A_49 = arith.constant 0 : i32
    %dma_wait3A_50 = tpu.memref_slice %arg3[%dma_wait3A, %dma_wait3A_48, %dma_wait3A_49] : memref<4x32x128xi32, #tpu.memory_space<hbm>> -> memref<1x32x128xi32, #tpu.memory_space<hbm>>
    %dma_wait3A_51 = tpu.memref_squeeze %dma_wait3A_50 : memref<1x32x128xi32, #tpu.memory_space<hbm>> -> memref<32x128xi32, #tpu.memory_space<hbm>>
    %dma_wait3A_52 = arith.constant 0 : i32
    %dma_wait3A_53 = tpu.memref_slice %dma_wait3A_51[%add3A, %dma_wait3A_52] : memref<32x128xi32, #tpu.memory_space<hbm>> -> memref<1x128xi32, #tpu.memory_space<hbm>>
    %dma_wait3A_54 = tpu.memref_squeeze %dma_wait3A_53 : memref<1x128xi32, #tpu.memory_space<hbm>> -> memref<128xi32, #tpu.memory_space<hbm>>
    %dma_wait3A_55 = arith.constant 0 : i32
    %dma_wait3A_56 = tpu.memref_slice %arg5[%dma_wait3A_44, %dma_wait3A_55] : memref<2x128xi32, #tpu.memory_space<vmem>> -> memref<1x128xi32, #tpu.memory_space<vmem>>
    %dma_wait3A_57 = tpu.memref_squeeze %dma_wait3A_56 : memref<1x128xi32, #tpu.memory_space<vmem>> -> memref<128xi32, #tpu.memory_space<vmem>>
    %dma_wait3A_58 = arith.constant 0 : i32
    %dma_wait3A_59 = arith.constant 0 : i32
    %dma_wait3A_60 = tpu.memref_slice %arg3[%dma_wait3A, %dma_wait3A_58, %dma_wait3A_59] : memref<4x32x128xi32, #tpu.memory_space<hbm>> -> memref<1x32x128xi32, #tpu.memory_space<hbm>>
    %dma_wait3A_61 = tpu.memref_squeeze %dma_wait3A_60 : memref<1x32x128xi32, #tpu.memory_space<hbm>> -> memref<32x128xi32, #tpu.memory_space<hbm>>
    %dma_wait3A_62 = arith.constant 0 : i32
    %dma_wait3A_63 = tpu.memref_slice %dma_wait3A_61[%add3A, %dma_wait3A_62] : memref<32x128xi32, #tpu.memory_space<hbm>> -> memref<1x128xi32, #tpu.memory_space<hbm>>
    %dma_wait3A_64 = tpu.memref_squeeze %dma_wait3A_63 : memref<1x128xi32, #tpu.memory_space<hbm>> -> memref<128xi32, #tpu.memory_space<hbm>>
    tpu.wait_dma2 semaphore(%arg9 : memref<!tpu.dma_semaphore, #tpu.memory_space<semaphore_mem>>) src(%dma_wait3A_64 : memref<128xi32, #tpu.memory_space<hbm>>) dst(%dma_wait3A_57 : memref<128xi32, #tpu.memory_space<vmem>>)
    %dma_start3A_65 = arith.constant 0 : i32
    %dma_start3A_66 = arith.constant 0 : i32
    %dma_start3A_67 = arith.constant 0 : i32
    %dma_start3A_68 = arith.constant 0 : i32
    %dma_start3A_69 = tpu.memref_slice %arg6[%dma_start3A_66, %dma_start3A_67, %dma_start3A_68] : memref<2x128x128xf32, #tpu.memory_space<vmem>> -> memref<1x128x128xf32, #tpu.memory_space<vmem>>
    %dma_start3A_70 = tpu.memref_squeeze %dma_start3A_69 : memref<1x128x128xf32, #tpu.memory_space<vmem>> -> memref<128x128xf32, #tpu.memory_space<vmem>>
    %dma_start3A_71 = arith.constant 0 : i32
    %dma_start3A_72 = tpu.memref_slice %arg5[%dma_start3A_65, %dma_start3A_71] : memref<2x128xi32, #tpu.memory_space<vmem>> -> memref<1x128xi32, #tpu.memory_space<vmem>>
    %dma_start3A_73 = tpu.memref_squeeze %dma_start3A_72 : memref<1x128xi32, #tpu.memory_space<vmem>> -> memref<128xi32, #tpu.memory_space<vmem>>
    %dma_start3A_74 = arith.constant 0 : i32
    %dma_start3A_75 = arith.constant 0 : i32
    %dma_start3A_76 = tpu.memref_slice %arg2[%dma_start3A_74, %dma_start3A_75] : memref<1000000x128xf32, #tpu.memory_space<hbm>> -> memref<1000000x128xf32, #tpu.memory_space<hbm>>
    tpu.enqueue_indirect_dma source(%dma_start3A_76 : memref<1000000x128xf32, #tpu.memory_space<hbm>>) target(%dma_start3A_70 : memref<128x128xf32, #tpu.memory_space<vmem>>) offsets(%dma_start3A_73 : memref<128xi32, #tpu.memory_space<vmem>>) semaphore(%arg7 : memref<!tpu.dma_semaphore, #tpu.memory_space<semaphore_mem>>)
    %dma_wait3A_77 = arith.constant 3 : i32
    %dma_wait3A_78 = arith.constant 1 : i32
    %dma_wait3A_79 = arith.constant 0 : i32
    %dma_wait3A_80 = tpu.memref_slice %arg5[%dma_wait3A_78, %dma_wait3A_79] : memref<2x128xi32, #tpu.memory_space<vmem>> -> memref<1x128xi32, #tpu.memory_space<vmem>>
    %dma_wait3A_81 = tpu.memref_squeeze %dma_wait3A_80 : memref<1x128xi32, #tpu.memory_space<vmem>> -> memref<128xi32, #tpu.memory_space<vmem>>
    %dma_wait3A_82 = arith.constant 0 : i32
    %dma_wait3A_83 = arith.constant 0 : i32
    %dma_wait3A_84 = tpu.memref_slice %arg3[%dma_wait3A_77, %dma_wait3A_82, %dma_wait3A_83] : memref<4x32x128xi32, #tpu.memory_space<hbm>> -> memref<1x32x128xi32, #tpu.memory_space<hbm>>
    %dma_wait3A_85 = tpu.memref_squeeze %dma_wait3A_84 : memref<1x32x128xi32, #tpu.memory_space<hbm>> -> memref<32x128xi32, #tpu.memory_space<hbm>>
    %dma_wait3A_86 = arith.constant 0 : i32
    %dma_wait3A_87 = tpu.memref_slice %dma_wait3A_85[%add3A, %dma_wait3A_86] : memref<32x128xi32, #tpu.memory_space<hbm>> -> memref<1x128xi32, #tpu.memory_space<hbm>>
    %dma_wait3A_88 = tpu.memref_squeeze %dma_wait3A_87 : memref<1x128xi32, #tpu.memory_space<hbm>> -> memref<128xi32, #tpu.memory_space<hbm>>
    %dma_wait3A_89 = arith.constant 0 : i32
    %dma_wait3A_90 = tpu.memref_slice %arg5[%dma_wait3A_78, %dma_wait3A_89] : memref<2x128xi32, #tpu.memory_space<vmem>> -> memref<1x128xi32, #tpu.memory_space<vmem>>
    %dma_wait3A_91 = tpu.memref_squeeze %dma_wait3A_90 : memref<1x128xi32, #tpu.memory_space<vmem>> -> memref<128xi32, #tpu.memory_space<vmem>>
    %dma_wait3A_92 = arith.constant 0 : i32
    %dma_wait3A_93 = arith.constant 0 : i32
    %dma_wait3A_94 = tpu.memref_slice %arg3[%dma_wait3A_77, %dma_wait3A_92, %dma_wait3A_93] : memref<4x32x128xi32, #tpu.memory_space<hbm>> -> memref<1x32x128xi32, #tpu.memory_space<hbm>>
    %dma_wait3A_95 = tpu.memref_squeeze %dma_wait3A_94 : memref<1x32x128xi32, #tpu.memory_space<hbm>> -> memref<32x128xi32, #tpu.memory_space<hbm>>
    %dma_wait3A_96 = arith.constant 0 : i32
    %dma_wait3A_97 = tpu.memref_slice %dma_wait3A_95[%add3A, %dma_wait3A_96] : memref<32x128xi32, #tpu.memory_space<hbm>> -> memref<1x128xi32, #tpu.memory_space<hbm>>
    %dma_wait3A_98 = tpu.memref_squeeze %dma_wait3A_97 : memref<1x128xi32, #tpu.memory_space<hbm>> -> memref<128xi32, #tpu.memory_space<hbm>>
    tpu.wait_dma2 semaphore(%arg10 : memref<!tpu.dma_semaphore, #tpu.memory_space<semaphore_mem>>) src(%dma_wait3A_98 : memref<128xi32, #tpu.memory_space<hbm>>) dst(%dma_wait3A_91 : memref<128xi32, #tpu.memory_space<vmem>>)
    %dma_start3A_99 = arith.constant 1 : i32
    %dma_start3A_100 = arith.constant 1 : i32
    %dma_start3A_101 = arith.constant 0 : i32
    %dma_start3A_102 = arith.constant 0 : i32
    %dma_start3A_103 = tpu.memref_slice %arg6[%dma_start3A_100, %dma_start3A_101, %dma_start3A_102] : memref<2x128x128xf32, #tpu.memory_space<vmem>> -> memref<1x128x128xf32, #tpu.memory_space<vmem>>
    %dma_start3A_104 = tpu.memref_squeeze %dma_start3A_103 : memref<1x128x128xf32, #tpu.memory_space<vmem>> -> memref<128x128xf32, #tpu.memory_space<vmem>>
    %dma_start3A_105 = arith.constant 0 : i32
    %dma_start3A_106 = tpu.memref_slice %arg5[%dma_start3A_99, %dma_start3A_105] : memref<2x128xi32, #tpu.memory_space<vmem>> -> memref<1x128xi32, #tpu.memory_space<vmem>>
    %dma_start3A_107 = tpu.memref_squeeze %dma_start3A_106 : memref<1x128xi32, #tpu.memory_space<vmem>> -> memref<128xi32, #tpu.memory_space<vmem>>
    %dma_start3A_108 = arith.constant 0 : i32
    %dma_start3A_109 = arith.constant 0 : i32
    %dma_start3A_110 = tpu.memref_slice %arg2[%dma_start3A_108, %dma_start3A_109] : memref<1000000x128xf32, #tpu.memory_space<hbm>> -> memref<1000000x128xf32, #tpu.memory_space<hbm>>
    tpu.enqueue_indirect_dma source(%dma_start3A_110 : memref<1000000x128xf32, #tpu.memory_space<hbm>>) target(%dma_start3A_104 : memref<128x128xf32, #tpu.memory_space<vmem>>) offsets(%dma_start3A_107 : memref<128xi32, #tpu.memory_space<vmem>>) semaphore(%arg8 : memref<!tpu.dma_semaphore, #tpu.memory_space<semaphore_mem>>)
    %dma_wait3A_111 = arith.constant 0 : i32
    %dma_wait3A_112 = arith.constant 0 : i32
    %dma_wait3A_113 = arith.constant 0 : i32
    %dma_wait3A_114 = arith.constant 0 : i32
    %dma_wait3A_115 = tpu.memref_slice %arg6[%dma_wait3A_112, %dma_wait3A_113, %dma_wait3A_114] : memref<2x128x128xf32, #tpu.memory_space<vmem>> -> memref<1x128x128xf32, #tpu.memory_space<vmem>>
    %dma_wait3A_116 = tpu.memref_squeeze %dma_wait3A_115 : memref<1x128x128xf32, #tpu.memory_space<vmem>> -> memref<128x128xf32, #tpu.memory_space<vmem>>
    %dma_wait3A_117 = arith.constant 0 : i32
    %dma_wait3A_118 = tpu.memref_slice %arg5[%dma_wait3A_111, %dma_wait3A_117] : memref<2x128xi32, #tpu.memory_space<vmem>> -> memref<1x128xi32, #tpu.memory_space<vmem>>
    %dma_wait3A_119 = tpu.memref_squeeze %dma_wait3A_118 : memref<1x128xi32, #tpu.memory_space<vmem>> -> memref<128xi32, #tpu.memory_space<vmem>>
    %dma_wait3A_120 = arith.constant 0 : i32
    %dma_wait3A_121 = arith.constant 0 : i32
    %dma_wait3A_122 = tpu.memref_slice %arg2[%dma_wait3A_120, %dma_wait3A_121] : memref<1000000x128xf32, #tpu.memory_space<hbm>> -> memref<1000000x128xf32, #tpu.memory_space<hbm>>
    tpu.wait_indirect_dma semaphore(%arg7 : memref<!tpu.dma_semaphore, #tpu.memory_space<semaphore_mem>>) src(%dma_wait3A_122 : memref<1000000x128xf32, #tpu.memory_space<hbm>>) dst(%dma_wait3A_116 : memref<128x128xf32, #tpu.memory_space<vmem>>)
    %dma_start3A_123 = arith.constant 0 : i32
    %dma_start3A_124 = arith.constant 0 : i32
    %dma_start3A_125 = arith.constant 0 : i32
    %dma_start3A_126 = arith.constant 0 : i32
    %dma_start3A_127 = tpu.memref_slice %arg6[%dma_start3A_123, %dma_start3A_125, %dma_start3A_126] : memref<2x128x128xf32, #tpu.memory_space<vmem>> -> memref<1x128x128xf32, #tpu.memory_space<vmem>>
    %dma_start3A_128 = tpu.memref_squeeze %dma_start3A_127 : memref<1x128x128xf32, #tpu.memory_space<vmem>> -> memref<128x128xf32, #tpu.memory_space<vmem>>
    %dma_start3A_129 = arith.constant 0 : i32
    %dma_start3A_130 = arith.constant 0 : i32
    %dma_start3A_131 = arith.constant 0 : i32
    %dma_start3A_132 = tpu.memref_slice %arg4[%dma_start3A_124, %dma_start3A_129, %dma_start3A_130, %dma_start3A_131] : memref<2x32x128x128xf32, #tpu.memory_space<hbm>> -> memref<1x32x128x128xf32, #tpu.memory_space<hbm>>
    %dma_start3A_133 = tpu.memref_squeeze %dma_start3A_132 : memref<1x32x128x128xf32, #tpu.memory_space<hbm>> -> memref<32x128x128xf32, #tpu.memory_space<hbm>>
    %dma_start3A_134 = arith.constant 0 : i32
    %dma_start3A_135 = arith.constant 0 : i32
    %dma_start3A_136 = tpu.memref_slice %dma_start3A_133[%add3A, %dma_start3A_134, %dma_start3A_135] : memref<32x128x128xf32, #tpu.memory_space<hbm>> -> memref<1x128x128xf32, #tpu.memory_space<hbm>>
    %dma_start3A_137 = tpu.memref_squeeze %dma_start3A_136 : memref<1x128x128xf32, #tpu.memory_space<hbm>> -> memref<128x128xf32, #tpu.memory_space<hbm>>
    %dma_start3A_138 = arith.constant 0 : i32
    %dma_start3A_139 = arith.constant 0 : i32
    %dma_start3A_140 = arith.constant 0 : i32
    %dma_start3A_141 = tpu.memref_slice %arg4[%dma_start3A_124, %dma_start3A_138, %dma_start3A_139, %dma_start3A_140] : memref<2x32x128x128xf32, #tpu.memory_space<hbm>> -> memref<1x32x128x128xf32, #tpu.memory_space<hbm>>
    %dma_start3A_142 = tpu.memref_squeeze %dma_start3A_141 : memref<1x32x128x128xf32, #tpu.memory_space<hbm>> -> memref<32x128x128xf32, #tpu.memory_space<hbm>>
    %dma_start3A_143 = arith.constant 0 : i32
    %dma_start3A_144 = arith.constant 0 : i32
    %dma_start3A_145 = tpu.memref_slice %dma_start3A_142[%add3A, %dma_start3A_143, %dma_start3A_144] : memref<32x128x128xf32, #tpu.memory_space<hbm>> -> memref<1x128x128xf32, #tpu.memory_space<hbm>>
    %dma_start3A_146 = tpu.memref_squeeze %dma_start3A_145 : memref<1x128x128xf32, #tpu.memory_space<hbm>> -> memref<128x128xf32, #tpu.memory_space<hbm>>
    %dma_start3A_147 = arith.constant 0 : i32
    %dma_start3A_148 = arith.constant 0 : i32
    %dma_start3A_149 = tpu.memref_slice %arg6[%dma_start3A_123, %dma_start3A_147, %dma_start3A_148] : memref<2x128x128xf32, #tpu.memory_space<vmem>> -> memref<1x128x128xf32, #tpu.memory_space<vmem>>
    %dma_start3A_150 = tpu.memref_squeeze %dma_start3A_149 : memref<1x128x128xf32, #tpu.memory_space<vmem>> -> memref<128x128xf32, #tpu.memory_space<vmem>>
    tpu.enqueue_dma source(%dma_start3A_150 : memref<128x128xf32, #tpu.memory_space<vmem>>) target(%dma_start3A_146 : memref<128x128xf32, #tpu.memory_space<hbm>>) target_semaphore(%arg9 : memref<!tpu.dma_semaphore, #tpu.memory_space<semaphore_mem>>)
    %dma_wait3A_151 = arith.constant 1 : i32
    %dma_wait3A_152 = arith.constant 1 : i32
    %dma_wait3A_153 = arith.constant 0 : i32
    %dma_wait3A_154 = arith.constant 0 : i32
    %dma_wait3A_155 = tpu.memref_slice %arg6[%dma_wait3A_152, %dma_wait3A_153, %dma_wait3A_154] : memref<2x128x128xf32, #tpu.memory_space<vmem>> -> memref<1x128x128xf32, #tpu.memory_space<vmem>>
    %dma_wait3A_156 = tpu.memref_squeeze %dma_wait3A_155 : memref<1x128x128xf32, #tpu.memory_space<vmem>> -> memref<128x128xf32, #tpu.memory_space<vmem>>
    %dma_wait3A_157 = arith.constant 0 : i32
    %dma_wait3A_158 = tpu.memref_slice %arg5[%dma_wait3A_151, %dma_wait3A_157] : memref<2x128xi32, #tpu.memory_space<vmem>> -> memref<1x128xi32, #tpu.memory_space<vmem>>
    %dma_wait3A_159 = tpu.memref_squeeze %dma_wait3A_158 : memref<1x128xi32, #tpu.memory_space<vmem>> -> memref<128xi32, #tpu.memory_space<vmem>>
    %dma_wait3A_160 = arith.constant 0 : i32
    %dma_wait3A_161 = arith.constant 0 : i32
    %dma_wait3A_162 = tpu.memref_slice %arg2[%dma_wait3A_160, %dma_wait3A_161] : memref<1000000x128xf32, #tpu.memory_space<hbm>> -> memref<1000000x128xf32, #tpu.memory_space<hbm>>
    tpu.wait_indirect_dma semaphore(%arg8 : memref<!tpu.dma_semaphore, #tpu.memory_space<semaphore_mem>>) src(%dma_wait3A_162 : memref<1000000x128xf32, #tpu.memory_space<hbm>>) dst(%dma_wait3A_156 : memref<128x128xf32, #tpu.memory_space<vmem>>)
    %dma_start3A_163 = arith.constant 1 : i32
    %dma_start3A_164 = arith.constant 1 : i32
    %dma_start3A_165 = arith.constant 0 : i32
    %dma_start3A_166 = arith.constant 0 : i32
    %dma_start3A_167 = tpu.memref_slice %arg6[%dma_start3A_163, %dma_start3A_165, %dma_start3A_166] : memref<2x128x128xf32, #tpu.memory_space<vmem>> -> memref<1x128x128xf32, #tpu.memory_space<vmem>>
    %dma_start3A_168 = tpu.memref_squeeze %dma_start3A_167 : memref<1x128x128xf32, #tpu.memory_space<vmem>> -> memref<128x128xf32, #tpu.memory_space<vmem>>
    %dma_start3A_169 = arith.constant 0 : i32
    %dma_start3A_170 = arith.constant 0 : i32
    %dma_start3A_171 = arith.constant 0 : i32
    %dma_start3A_172 = tpu.memref_slice %arg4[%dma_start3A_164, %dma_start3A_169, %dma_start3A_170, %dma_start3A_171] : memref<2x32x128x128xf32, #tpu.memory_space<hbm>> -> memref<1x32x128x128xf32, #tpu.memory_space<hbm>>
    %dma_start3A_173 = tpu.memref_squeeze %dma_start3A_172 : memref<1x32x128x128xf32, #tpu.memory_space<hbm>> -> memref<32x128x128xf32, #tpu.memory_space<hbm>>
    %dma_start3A_174 = arith.constant 0 : i32
    %dma_start3A_175 = arith.constant 0 : i32
    %dma_start3A_176 = tpu.memref_slice %dma_start3A_173[%add3A, %dma_start3A_174, %dma_start3A_175] : memref<32x128x128xf32, #tpu.memory_space<hbm>> -> memref<1x128x128xf32, #tpu.memory_space<hbm>>
    %dma_start3A_177 = tpu.memref_squeeze %dma_start3A_176 : memref<1x128x128xf32, #tpu.memory_space<hbm>> -> memref<128x128xf32, #tpu.memory_space<hbm>>
    %dma_start3A_178 = arith.constant 0 : i32
    %dma_start3A_179 = arith.constant 0 : i32
    %dma_start3A_180 = arith.constant 0 : i32
    %dma_start3A_181 = tpu.memref_slice %arg4[%dma_start3A_164, %dma_start3A_178, %dma_start3A_179, %dma_start3A_180] : memref<2x32x128x128xf32, #tpu.memory_space<hbm>> -> memref<1x32x128x128xf32, #tpu.memory_space<hbm>>
    %dma_start3A_182 = tpu.memref_squeeze %dma_start3A_181 : memref<1x32x128x128xf32, #tpu.memory_space<hbm>> -> memref<32x128x128xf32, #tpu.memory_space<hbm>>
    %dma_start3A_183 = arith.constant 0 : i32
    %dma_start3A_184 = arith.constant 0 : i32
    %dma_start3A_185 = tpu.memref_slice %dma_start3A_182[%add3A, %dma_start3A_183, %dma_start3A_184] : memref<32x128x128xf32, #tpu.memory_space<hbm>> -> memref<1x128x128xf32, #tpu.memory_space<hbm>>
    %dma_start3A_186 = tpu.memref_squeeze %dma_start3A_185 : memref<1x128x128xf32, #tpu.memory_space<hbm>> -> memref<128x128xf32, #tpu.memory_space<hbm>>
    %dma_start3A_187 = arith.constant 0 : i32
    %dma_start3A_188 = arith.constant 0 : i32
    %dma_start3A_189 = tpu.memref_slice %arg6[%dma_start3A_163, %dma_start3A_187, %dma_start3A_188] : memref<2x128x128xf32, #tpu.memory_space<vmem>> -> memref<1x128x128xf32, #tpu.memory_space<vmem>>
    %dma_start3A_190 = tpu.memref_squeeze %dma_start3A_189 : memref<1x128x128xf32, #tpu.memory_space<vmem>> -> memref<128x128xf32, #tpu.memory_space<vmem>>
    tpu.enqueue_dma source(%dma_start3A_190 : memref<128x128xf32, #tpu.memory_space<vmem>>) target(%dma_start3A_186 : memref<128x128xf32, #tpu.memory_space<hbm>>) target_semaphore(%arg10 : memref<!tpu.dma_semaphore, #tpu.memory_space<semaphore_mem>>)
    %dma_wait3A_191 = arith.constant 0 : i32
    %dma_wait3A_192 = arith.constant 0 : i32
    %dma_wait3A_193 = arith.constant 0 : i32
    %dma_wait3A_194 = arith.constant 0 : i32
    %dma_wait3A_195 = tpu.memref_slice %arg6[%dma_wait3A_191, %dma_wait3A_193, %dma_wait3A_194] : memref<2x128x128xf32, #tpu.memory_space<vmem>> -> memref<1x128x128xf32, #tpu.memory_space<vmem>>
    %dma_wait3A_196 = tpu.memref_squeeze %dma_wait3A_195 : memref<1x128x128xf32, #tpu.memory_space<vmem>> -> memref<128x128xf32, #tpu.memory_space<vmem>>
    %dma_wait3A_197 = arith.constant 0 : i32
    %dma_wait3A_198 = arith.constant 0 : i32
    %dma_wait3A_199 = arith.constant 0 : i32
    %dma_wait3A_200 = tpu.memref_slice %arg4[%dma_wait3A_192, %dma_wait3A_197, %dma_wait3A_198, %dma_wait3A_199] : memref<2x32x128x128xf32, #tpu.memory_space<hbm>> -> memref<1x32x128x128xf32, #tpu.memory_space<hbm>>
    %dma_wait3A_201 = tpu.memref_squeeze %dma_wait3A_200 : memref<1x32x128x128xf32, #tpu.memory_space<hbm>> -> memref<32x128x128xf32, #tpu.memory_space<hbm>>
    %dma_wait3A_202 = arith.constant 0 : i32
    %dma_wait3A_203 = arith.constant 0 : i32
    %dma_wait3A_204 = tpu.memref_slice %dma_wait3A_201[%add3A, %dma_wait3A_202, %dma_wait3A_203] : memref<32x128x128xf32, #tpu.memory_space<hbm>> -> memref<1x128x128xf32, #tpu.memory_space<hbm>>
    %dma_wait3A_205 = tpu.memref_squeeze %dma_wait3A_204 : memref<1x128x128xf32, #tpu.memory_space<hbm>> -> memref<128x128xf32, #tpu.memory_space<hbm>>
    %dma_wait3A_206 = arith.constant 0 : i32
    %dma_wait3A_207 = arith.constant 0 : i32
    %dma_wait3A_208 = arith.constant 0 : i32
    %dma_wait3A_209 = tpu.memref_slice %arg4[%dma_wait3A_192, %dma_wait3A_206, %dma_wait3A_207, %dma_wait3A_208] : memref<2x32x128x128xf32, #tpu.memory_space<hbm>> -> memref<1x32x128x128xf32, #tpu.memory_space<hbm>>
    %dma_wait3A_210 = tpu.memref_squeeze %dma_wait3A_209 : memref<1x32x128x128xf32, #tpu.memory_space<hbm>> -> memref<32x128x128xf32, #tpu.memory_space<hbm>>
    %dma_wait3A_211 = arith.constant 0 : i32
    %dma_wait3A_212 = arith.constant 0 : i32
    %dma_wait3A_213 = tpu.memref_slice %dma_wait3A_210[%add3A, %dma_wait3A_211, %dma_wait3A_212] : memref<32x128x128xf32, #tpu.memory_space<hbm>> -> memref<1x128x128xf32, #tpu.memory_space<hbm>>
    %dma_wait3A_214 = tpu.memref_squeeze %dma_wait3A_213 : memref<1x128x128xf32, #tpu.memory_space<hbm>> -> memref<128x128xf32, #tpu.memory_space<hbm>>
    %dma_wait3A_215 = arith.constant 0 : i32
    %dma_wait3A_216 = arith.constant 0 : i32
    %dma_wait3A_217 = tpu.memref_slice %arg6[%dma_wait3A_191, %dma_wait3A_215, %dma_wait3A_216] : memref<2x128x128xf32, #tpu.memory_space<vmem>> -> memref<1x128x128xf32, #tpu.memory_space<vmem>>
    %dma_wait3A_218 = tpu.memref_squeeze %dma_wait3A_217 : memref<1x128x128xf32, #tpu.memory_space<vmem>> -> memref<128x128xf32, #tpu.memory_space<vmem>>
    tpu.wait_dma2 semaphore(%arg9 : memref<!tpu.dma_semaphore, #tpu.memory_space<semaphore_mem>>) src(%dma_wait3A_218 : memref<128x128xf32, #tpu.memory_space<vmem>>) dst(%dma_wait3A_214 : memref<128x128xf32, #tpu.memory_space<hbm>>)
    %dma_wait3A_219 = arith.constant 1 : i32
    %dma_wait3A_220 = arith.constant 1 : i32
    %dma_wait3A_221 = arith.constant 0 : i32
    %dma_wait3A_222 = arith.constant 0 : i32
    %dma_wait3A_223 = tpu.memref_slice %arg6[%dma_wait3A_219, %dma_wait3A_221, %dma_wait3A_222] : memref<2x128x128xf32, #tpu.memory_space<vmem>> -> memref<1x128x128xf32, #tpu.memory_space<vmem>>
    %dma_wait3A_224 = tpu.memref_squeeze %dma_wait3A_223 : memref<1x128x128xf32, #tpu.memory_space<vmem>> -> memref<128x128xf32, #tpu.memory_space<vmem>>
    %dma_wait3A_225 = arith.constant 0 : i32
    %dma_wait3A_226 = arith.constant 0 : i32
    %dma_wait3A_227 = arith.constant 0 : i32
    %dma_wait3A_228 = tpu.memref_slice %arg4[%dma_wait3A_220, %dma_wait3A_225, %dma_wait3A_226, %dma_wait3A_227] : memref<2x32x128x128xf32, #tpu.memory_space<hbm>> -> memref<1x32x128x128xf32, #tpu.memory_space<hbm>>
    %dma_wait3A_229 = tpu.memref_squeeze %dma_wait3A_228 : memref<1x32x128x128xf32, #tpu.memory_space<hbm>> -> memref<32x128x128xf32, #tpu.memory_space<hbm>>
    %dma_wait3A_230 = arith.constant 0 : i32
    %dma_wait3A_231 = arith.constant 0 : i32
    %dma_wait3A_232 = tpu.memref_slice %dma_wait3A_229[%add3A, %dma_wait3A_230, %dma_wait3A_231] : memref<32x128x128xf32, #tpu.memory_space<hbm>> -> memref<1x128x128xf32, #tpu.memory_space<hbm>>
    %dma_wait3A_233 = tpu.memref_squeeze %dma_wait3A_232 : memref<1x128x128xf32, #tpu.memory_space<hbm>> -> memref<128x128xf32, #tpu.memory_space<hbm>>
    %dma_wait3A_234 = arith.constant 0 : i32
    %dma_wait3A_235 = arith.constant 0 : i32
    %dma_wait3A_236 = arith.constant 0 : i32
    %dma_wait3A_237 = tpu.memref_slice %arg4[%dma_wait3A_220, %dma_wait3A_234, %dma_wait3A_235, %dma_wait3A_236] : memref<2x32x128x128xf32, #tpu.memory_space<hbm>> -> memref<1x32x128x128xf32, #tpu.memory_space<hbm>>
    %dma_wait3A_238 = tpu.memref_squeeze %dma_wait3A_237 : memref<1x32x128x128xf32, #tpu.memory_space<hbm>> -> memref<32x128x128xf32, #tpu.memory_space<hbm>>
    %dma_wait3A_239 = arith.constant 0 : i32
    %dma_wait3A_240 = arith.constant 0 : i32
    %dma_wait3A_241 = tpu.memref_slice %dma_wait3A_238[%add3A, %dma_wait3A_239, %dma_wait3A_240] : memref<32x128x128xf32, #tpu.memory_space<hbm>> -> memref<1x128x128xf32, #tpu.memory_space<hbm>>
    %dma_wait3A_242 = tpu.memref_squeeze %dma_wait3A_241 : memref<1x128x128xf32, #tpu.memory_space<hbm>> -> memref<128x128xf32, #tpu.memory_space<hbm>>
    %dma_wait3A_243 = arith.constant 0 : i32
    %dma_wait3A_244 = arith.constant 0 : i32
    %dma_wait3A_245 = tpu.memref_slice %arg6[%dma_wait3A_219, %dma_wait3A_243, %dma_wait3A_244] : memref<2x128x128xf32, #tpu.memory_space<vmem>> -> memref<1x128x128xf32, #tpu.memory_space<vmem>>
    %dma_wait3A_246 = tpu.memref_squeeze %dma_wait3A_245 : memref<1x128x128xf32, #tpu.memory_space<vmem>> -> memref<128x128xf32, #tpu.memory_space<vmem>>
    tpu.wait_dma2 semaphore(%arg10 : memref<!tpu.dma_semaphore, #tpu.memory_space<semaphore_mem>>) src(%dma_wait3A_246 : memref<128x128xf32, #tpu.memory_space<vmem>>) dst(%dma_wait3A_242 : memref<128x128xf32, #tpu.memory_space<hbm>>)
    return
  }
}

module attributes {stable_mosaic.version = 14 : i64} {
  func.func @_silu_mm_body(%arg0: i32, %arg1: memref<4096x128xf32, #tpu.memory_space<vmem>>, %arg2: memref<128x128xf32, #tpu.memory_space<vmem>>, %arg3: memref<1x128xf32, #tpu.memory_space<vmem>>, %arg4: memref<4096x128xf32, #tpu.memory_space<vmem>>) attributes {dimension_semantics = [#tpu.dimension_semantics<arbitrary>], iteration_bounds = array<i64: 2>, scalar_prefetch = 0 : i64, scratch_operands = 0 : i64, tpu.core_type = #tpu.core_type<tc>, window_params = [{transform_indices = @transform_0, window_bounds = array<i64: 4096, 128>}, {pipeline_mode = #tpu.pipeline_mode<synchronous>, transform_indices = @transform_1, window_bounds = array<i64: 128, 128>}, {pipeline_mode = #tpu.pipeline_mode<synchronous>, transform_indices = @transform_2, window_bounds = array<i64: 1, 128>}, {transform_indices = @transform_3, window_bounds = array<i64: 4096, 128>}]} {
    %get3A = arith.constant 0 : index
    %get3A_0 = arith.constant 0 : index
    %get3A_1 = vector.load %arg1[%get3A, %get3A_0] : memref<4096x128xf32, #tpu.memory_space<vmem>>, vector<4096x128xf32>
    %logistic3A = arith.negf %get3A_1 : vector<4096x128xf32>
    %logistic3A_2 = math.exp %logistic3A : vector<4096x128xf32>
    %logistic3A_3 = arith.constant 1.000000e+00 : f32
    %logistic3A_4 = vector.broadcast %logistic3A_3 : f32 to vector<4096x128xf32>
    %logistic3A_5 = arith.addf %logistic3A_4, %logistic3A_2 : vector<4096x128xf32>
    %logistic3A_6 = arith.divf %logistic3A_4, %logistic3A_5 : vector<4096x128xf32>
    %mul3A = arith.mulf %get3A_1, %logistic3A_6 : vector<4096x128xf32>
    %get3A_7 = arith.constant 0 : index
    %get3A_8 = arith.constant 0 : index
    %get3A_9 = vector.load %arg2[%get3A_7, %get3A_8] : memref<128x128xf32, #tpu.memory_space<vmem>>, vector<128x128xf32>
    %dot_general3A = arith.constant dense<0.000000e+00> : vector<4096x128xf32>
    %dot_general3A_10 = tpu.matmul %mul3A, %get3A_9, %dot_general3A {dimension_numbers = #tpu.dot_dimension_numbers<[1], [1], [0], [0], [0, 0, 1, 0], [], []>, transpose_lhs_hint = false} : vector<4096x128xf32>, vector<128x128xf32>, vector<4096x128xf32> -> vector<4096x128xf32>
    %get3A_11 = arith.constant 0 : index
    %get3A_12 = arith.constant 0 : index
    %get3A_13 = vector.load %arg3[%get3A_11, %get3A_12] : memref<1x128xf32, #tpu.memory_space<vmem>>, vector<1x128xf32>
    %add3A = vector.broadcast %get3A_13 : vector<1x128xf32> to vector<4096x128xf32>
    %add3A_14 = arith.addf %dot_general3A_10, %add3A : vector<4096x128xf32>
    %swap3A = arith.constant 0 : index
    %swap3A_15 = arith.constant 0 : index
    %swap3A_16 = vector.load %arg4[%swap3A, %swap3A_15] : memref<4096x128xf32, #tpu.memory_space<vmem>>, vector<4096x128xf32>
    tpu.vector_store %arg4[%swap3A, %swap3A_15], %add3A_14 {strides = array<i32>} : memref<4096x128xf32, #tpu.memory_space<vmem>>, vector<4096x128xf32>,
    return
  }
  func.func @transform_0(%arg0: i32) -> (i32, i32) {
    %c0_i32 = arith.constant 0 : i32
    %c0_i32_0 = arith.constant 0 : i32
    return %arg0, %c0_i32 : i32, i32
  }
  func.func @transform_1(%arg0: i32) -> (i32, i32) {
    %c0_i32 = arith.constant 0 : i32
    %c0_i32_0 = arith.constant 0 : i32
    %c0_i32_1 = arith.constant 0 : i32
    return %c0_i32, %c0_i32_0 : i32, i32
  }
  func.func @transform_2(%arg0: i32) -> (i32, i32) {
    %c0_i32 = arith.constant 0 : i32
    %c0_i32_0 = arith.constant 0 : i32
    %c0_i32_1 = arith.constant 0 : i32
    return %c0_i32, %c0_i32_0 : i32, i32
  }
  func.func @transform_3(%arg0: i32) -> (i32, i32) {
    %add3A = arith.constant 0 : i32
    %add3A_0 = arith.addi %arg0, %add3A : i32
    %c0_i32 = arith.constant 0 : i32
    %c0_i32_1 = arith.constant 0 : i32
    return %add3A_0, %c0_i32 : i32, i32
  }
}

module attributes {stable_mosaic.version = 14 : i64} {
  func.func @_silu_mm_body_alias(%arg0: i32, %arg1: memref<4096x128xf32, #tpu.memory_space<vmem>>, %arg2: memref<128x128xf32, #tpu.memory_space<vmem>>, %arg3: memref<1x128xf32, #tpu.memory_space<vmem>>, %arg4: memref<16384x128xf32, #tpu.memory_space<any>>, %arg5: memref<4096x128xf32, #tpu.memory_space<vmem>>) attributes {dimension_semantics = [#tpu.dimension_semantics<arbitrary>], iteration_bounds = array<i64: 2>, scalar_prefetch = 0 : i64, scratch_operands = 0 : i64, tpu.core_type = #tpu.core_type<tc>, window_params = [{transform_indices = @transform_0, window_bounds = array<i64: 4096, 128>}, {pipeline_mode = #tpu.pipeline_mode<synchronous>, transform_indices = @transform_1, window_bounds = array<i64: 128, 128>}, {pipeline_mode = #tpu.pipeline_mode<synchronous>, transform_indices = @transform_2, window_bounds = array<i64: 1, 128>}, {}, {transform_indices = @transform_4, window_bounds = array<i64: 4096, 128>}]} {
    %get3A = arith.constant 0 : index
    %get3A_0 = arith.constant 0 : index
    %get3A_1 = vector.load %arg1[%get3A, %get3A_0] : memref<4096x128xf32, #tpu.memory_space<vmem>>, vector<4096x128xf32>
    %logistic3A = arith.negf %get3A_1 : vector<4096x128xf32>
    %logistic3A_2 = math.exp %logistic3A : vector<4096x128xf32>
    %logistic3A_3 = arith.constant 1.000000e+00 : f32
    %logistic3A_4 = vector.broadcast %logistic3A_3 : f32 to vector<4096x128xf32>
    %logistic3A_5 = arith.addf %logistic3A_4, %logistic3A_2 : vector<4096x128xf32>
    %logistic3A_6 = arith.divf %logistic3A_4, %logistic3A_5 : vector<4096x128xf32>
    %mul3A = arith.mulf %get3A_1, %logistic3A_6 : vector<4096x128xf32>
    %get3A_7 = arith.constant 0 : index
    %get3A_8 = arith.constant 0 : index
    %get3A_9 = vector.load %arg2[%get3A_7, %get3A_8] : memref<128x128xf32, #tpu.memory_space<vmem>>, vector<128x128xf32>
    %dot_general3A = arith.constant dense<0.000000e+00> : vector<4096x128xf32>
    %dot_general3A_10 = tpu.matmul %mul3A, %get3A_9, %dot_general3A {dimension_numbers = #tpu.dot_dimension_numbers<[1], [1], [0], [0], [0, 0, 1, 0], [], []>, transpose_lhs_hint = false} : vector<4096x128xf32>, vector<128x128xf32>, vector<4096x128xf32> -> vector<4096x128xf32>
    %get3A_11 = arith.constant 0 : index
    %get3A_12 = arith.constant 0 : index
    %get3A_13 = vector.load %arg3[%get3A_11, %get3A_12] : memref<1x128xf32, #tpu.memory_space<vmem>>, vector<1x128xf32>
    %add3A = vector.broadcast %get3A_13 : vector<1x128xf32> to vector<4096x128xf32>
    %add3A_14 = arith.addf %dot_general3A_10, %add3A : vector<4096x128xf32>
    %swap3A = arith.constant 0 : index
    %swap3A_15 = arith.constant 0 : index
    %swap3A_16 = vector.load %arg5[%swap3A, %swap3A_15] : memref<4096x128xf32, #tpu.memory_space<vmem>>, vector<4096x128xf32>
    tpu.vector_store %arg5[%swap3A, %swap3A_15], %add3A_14 {strides = array<i32>} : memref<4096x128xf32, #tpu.memory_space<vmem>>, vector<4096x128xf32>,
    return
  }
  func.func @transform_0(%arg0: i32) -> (i32, i32) {
    %c0_i32 = arith.constant 0 : i32
    %c0_i32_0 = arith.constant 0 : i32
    return %arg0, %c0_i32 : i32, i32
  }
  func.func @transform_1(%arg0: i32) -> (i32, i32) {
    %c0_i32 = arith.constant 0 : i32
    %c0_i32_0 = arith.constant 0 : i32
    %c0_i32_1 = arith.constant 0 : i32
    return %c0_i32, %c0_i32_0 : i32, i32
  }
  func.func @transform_2(%arg0: i32) -> (i32, i32) {
    %c0_i32 = arith.constant 0 : i32
    %c0_i32_0 = arith.constant 0 : i32
    %c0_i32_1 = arith.constant 0 : i32
    return %c0_i32, %c0_i32_0 : i32, i32
  }
  func.func @transform_4(%arg0: i32) -> (i32, i32) {
    %add3A = arith.constant 2 : i32
    %add3A_0 = arith.addi %arg0, %add3A : i32
    %c0_i32 = arith.constant 0 : i32
    %c0_i32_1 = arith.constant 0 : i32
    return %add3A_0, %c0_i32 : i32, i32
  }
}

</mosaic_0001>

<sc_bundles>
// kernel: kernel.6.cloned.1.call-start
scs
__scs_entry_jumppad:
0x0: {  	(pc) =	sbr.rel $0x88, $3  }
0x1: {  	(tag) =	ssettag $0x0;
	lr =	simm.s32 $0x1  }
0x2: {  	[smem:$0x3F9D] =	sst lr;
	_ =	strace $0xD0000000  }
0x3: {  	_ = 	snop  }
0x4: {  	_ = 	snop  }
0x5: {  	_ = 	snop  }
0x6: {  	_ = 	snop  }
0x7: {  	_ = 	snop  }
__scs_overlays_trampoline_lowered:
0x8: {  	[smem:$0x3FAC] =	sst s0  }
0x9: {  	[smem:$0x3FAD] =	sst s1  }
0xa: {  	[smem:$0x3FAE] =	sst s2  }
0xb: {  	[smem:$0x3FAF] =	sst s3  }
0xc: {  	[smem:$0x3FB0] =	sst s4  }
0xd: {  	[smem:$0x3FB1] =	sst s5  }
0xe: {  	[smem:$0x3FB2] =	sst s6  }
0xf: {  	[smem:$0x3FB3] =	sst s7  }
0x10: {  	[smem:$0x3FB4] =	sst s8  }
0x11: {  	[smem:$0x3FB5] =	sst s9;
	s0 =	simm.s32 @!p0 $0x0  }
0x12: {  	s1 =	sld [smem:$0x3F9B];
	s0 =	simm.s32 @p0 $0x1  }
0x13: {  	[smem:$0x3FB6] =	sst s0;
	s0 =	simm.s32 @!p1 $0x0  }
0x14: {  	s2 =	sld [smem:$0x3F9A];
	s0 =	simm.s32 @p1 $0x1  }
0x15: {  	[smem:$0x3FB7] =	sst s0;
	s0 =	simm.s32 @!p2 $0x0  }
0x16: {  	s3 =	sld [smem:$0x3FDB];
	s0 =	simm.s32 @p2 $0x1  }
0x17: {  	s4 =	simm.s32 $0x1BF5;
	[smem:$0x3FB9] =	sst s0  }
0x18: {  	s0 =	sld [smem:$0x3F9C];
	_ =	swait.ge [sflag:s4], $0x0  }
0x19: {  	s7 =	sld [smem:$0x3F9D]  }
0x1a: {  	s8 =	sadd.s32 $0xFFFFE003, lr  }
0x1b: {  	s9 =	sadd.s32 $0xFFFFFEF7, lr;
	s5 =	simm.s32 $0xFFFFFFFF;
	p2 =	slt.u32 s8, $0xFFFFF086  }
0x1c: {  	p1 =	slt.u32 s9, $0xF7A;
	s5 =	simm.s32 @!p2 $0x0  }
0x1d: {  	s5 =	simm.s32 @p1 $0x1;
	p0 =	seq.s32 s7, s2  }
0x1e: {  	s7 =	smul.u32 @!p0 $0xF7A, s2;
	p2 =	seq.s32 @!p0 s5, $0x0  }
0x1f: {  	s9 =	smul.u32 $0xF7A, s1;
	s8 =	simm.s32 @!p0 $0x1BF5;
	p2 =	por !p2, p0  }
0x20: {  	[sflag:s8] =	ssyncset.s32 @!p0 $0xFFFFF086;
	s6 =	sadd.s32 @!p0 s3, s7;
	s7 =	simm.s32 @!p0 $0x108  }
0x21: {  	s3 =	sadd.s32 s3, s9;
	s6 =	sadd.s32 @!p0 $0x88, s6;
	s7 =	simm.s32 @p2 $0x1082  }
0x22: {  	[simem:s7], [sflag:s8] =	dma.local @!p0 [hbm:s6], $0xF7A  }
0x23: {  	s9 =	sor.u32 $0xD0000000, s2;
	s6 =	simm.s32 $0x108;
	_ =	swait.ge @!p0 [sflag:s8], $0x0  }
0x24: {  	s3 =	sadd.s32 $0x88, s3;
	s6 =	simm.s32 @!p1 $0x1082;
	[sflag:s4] =	ssyncset.s32 $0xFFFFF086  }
0x25: {  	[simem:s6], [sflag:s4] =	dma.local [hbm:s3], $0xF7A  }
0x26: {  	[smem:$0x3F9D] =	sst s1;
	(tag) =	ssettag s2;
	_ =	strace s9  }
0x27: {  	s1 =	sld [smem:$0x3FAD]  }
0x28: {  	s2 =	sld [smem:$0x3FAE]  }
0x29: {  	s4 =	sld [smem:$0x3FB0]  }
0x2a: {  	p0 =	seq.s32 s5, $0x0;
	s5 =	sld [smem:$0x3FB1]  }
0x2b: {  	s6 =	sld [smem:$0x3FB2]  }
0x2c: {  	s7 =	sld [smem:$0x3FB3]  }
0x2d: {  	s3 =	simm.s32 $0x108;
	s8 =	sld [smem:$0x3FB4]  }
0x2e: {  	s3 =	simm.s32 @!p0 $0x1082;
	s9 =	sld [smem:$0x3FB5]  }
0x2f: {  	lr =	sadd.s32 s0, s3;
	s0 =	sld [smem:$0x3FAC]  }
0x30: {  	s3 =	sld [smem:$0x3FAF]  }
0x31: {  	[smem:$0x3FB8] =	sst s10  }
0x32: {  	s10 =	sld [smem:$0x3FB6];
	_ =	sdelay $0x3  }
0x33: {  	p0 =	seq.s32 s10, $0x1;
	s10 =	sld [smem:$0x3FB8];
	_ =	sdelay $0x3  }
0x34: {  	[smem:$0x3FB8] =	sst s10  }
0x35: {  	s10 =	sld [smem:$0x3FB7];
	_ =	sdelay $0x3  }
0x36: {  	p1 =	seq.s32 s10, $0x1;
	s10 =	sld [smem:$0x3FB8];
	_ =	sdelay $0x3  }
0x37: {  	[smem:$0x3FB8] =	sst s10  }
0x38: {  	s10 =	sld [smem:$0x3FB9]  }
0x39: {  	_ = 	snop;
	(pc) =	sbr.ind lr, $3  }
0x3a: {  	_ = 	snop  }
0x3b: {  	_ = 	snop  }
0x3c: {  	p2 =	seq.s32 s10, $0x1;
	s10 =	sld [smem:$0x3FB8]  }
0x3d: {  	_ =	shalt  }
0x3e: {  	_ =	shalt  }
0x3f: {  	_ =	shalt  }
0x40: {  	_ =	shalt  }
0x41: {  	_ =	shalt  }
0x42: {  	_ =	shalt  }
0x43: {  	_ =	shalt  }
0x44: {  	_ =	shalt  }
0x45: {  	_ =	shalt  }
0x46: {  	_ =	shalt  }
0x47: {  	_ =	shalt  }
0x48: {  	_ =	shalt  }
0x49: {  	_ =	shalt  }
0x4a: {  	_ =	shalt  }
0x4b: {  	_ =	shalt  }
0x4c: {  	_ =	shalt  }
0x4d: {  	_ =	shalt  }
0x4e: {  	_ =	shalt  }
0x4f: {  	_ =	shalt  }
0x50: {  	_ =	shalt  }
0x51: {  	_ =	shalt  }
0x52: {  	_ =	shalt  }
0x53: {  	_ =	shalt  }
0x54: {  	_ =	shalt  }
0x55: {  	_ =	shalt  }
0x56: {  	_ =	shalt  }
0x57: {  	_ =	shalt  }
0x58: {  	_ =	shalt  }
0x59: {  	_ =	shalt  }
0x5a: {  	_ =	shalt  }
0x5b: {  	_ =	shalt  }
0x5c: {  	_ =	shalt  }
0x5d: {  	_ =	shalt  }
0x5e: {  	_ =	shalt  }
0x5f: {  	_ =	shalt  }
0x60: {  	_ =	shalt  }
0x61: {  	_ =	shalt  }
0x62: {  	_ =	shalt  }
0x63: {  	_ =	shalt  }
0x64: {  	_ =	shalt  }
0x65: {  	_ =	shalt  }
0x66: {  	_ =	shalt  }
0x67: {  	_ =	shalt  }
0x68: {  	_ =	shalt  }
0x69: {  	_ =	shalt  }
0x6a: {  	_ =	shalt  }
0x6b: {  	_ =	shalt  }
0x6c: {  	_ =	shalt  }
0x6d: {  	_ =	shalt  }
0x6e: {  	_ =	shalt  }
0x6f: {  	_ =	shalt  }
0x70: {  	_ =	shalt  }
0x71: {  	_ =	shalt  }
0x72: {  	_ =	shalt  }
0x73: {  	_ =	shalt  }
0x74: {  	_ =	shalt  }
0x75: {  	_ =	shalt  }
0x76: {  	_ =	shalt  }
0x77: {  	_ =	shalt  }
0x78: {  	_ =	shalt  }
0x79: {  	_ =	shalt  }
0x7a: {  	_ =	shalt  }
0x7b: {  	_ =	shalt  }
0x7c: {  	_ =	shalt  }
0x7d: {  	_ =	shalt  }
0x7e: {  	_ =	shalt  }
0x7f: {  	_ =	shalt  }
0x80: {  	_ =	shalt  }
0x81: {  	_ =	shalt  }
0x82: {  	_ =	shalt  }
0x83: {  	_ =	shalt  }
0x84: {  	_ =	shalt  }
0x85: {  	_ =	shalt  }
0x86: {  	_ =	shalt  }
0x87: {  	_ =	shalt  }
.Lfunc_end0:
.L_simem_size_0:
called_computation_lowered:
.L_overlay_start_0:
0x88: {  	s2 =	sld [smem:$0x3FD9]  }
0x89: {  	s3 =	sld [smem:$0x3FFE];
	_ =	sdelay $0x1  }
0x8a: {  	s1 =	srdreg.scid  }
0x8b: {  	s0 =	sand.u32 $0x1, s1  }
0x8c: {  	s18 =	sshll.u32 s0, $0xA;
	s2 =	sadd.s32 s3, s2  }
0x8d: {  	s2 =	sadd.s32 s2, s18  }
0x8e: {  	[smem:$0x3FC4] =	sst s2  }
0x8f: {  	_ = 	snop  }
0x90: {  	s2 =	sld [smem:$0x3FC9]  }
0x91: {  	s19 =	sld [smem:$0x3FC8]  }
0x92: {  	s4 =	sld [smem:$0x3FD0];
	(tm) =	ssettm $0x1  }
0x93: {  	s5 =	sld [smem:$0x3FFB];
	_ =	sdelay $0x3  }
0x94: {  	_ =	strace s5  }
0x95: {  	s5 =	sld [smem:$0x3FFC];
	_ =	sdelay $0x3  }
0x96: {  	_ =	strace s5  }
0x97: {  	s5 =	sld [smem:$0x3FFD];
	_ =	sdelay $0x3  }
0x98: {  	_ =	strace s5  }
0x99: {  	_ =	strace $0x8FFFFFFF  }
0x9a: {  	s20 =	sld [smem:$0x3FDB];
	_ =	sdelay $0x1  }
0x9b: {  	s6 =	simm.s32 $_scs_section_size  }
0x9c: {  	s7 =	simm.s32 $_size__tile_overlayer_lowered;
	s8 =	simm.s32 $_tile_overlayer_lowered  }
0x9d: {  	s23 =	simm.s32 $0x1BFF;
	s22 =	sshll.u32 s8, $0x1;
	s5 =	sadd.s32 s6, s20  }
0x9e: {  	s9 =	simm.s32 $0x0;
	s21 =	sshll.u32 s7, $0x1;
	s7 =	sadd.s32 s22, s5  }
0x9f: {  	[timem:s9], [sflag:s23] =	dma.local [hbm:s7], s21  }
0xa0: {  	_ =	swait.ge [sflag:s23], s21  }
0xa1: {  	s6 =	ssub.s32 $0x0, s21;
	[sflag:s23] =	ssyncset.done $0x0  }
0xa2: {  	[sflag:s23] =	ssyncadd.s32 s6;
	_ =	sdelay $0x1  }
0xa3: {  	s24 =	simm.s32 $0x1B8B  }
0xa4: {  	_ =	swait.ge [sflag:s24], $0x1  }
0xa5: {  	[sflag:s24] =	ssyncset.done $0x0  }
0xa6: {  	s25 =	simm.s32 $0x1B8E;
	[sflag:s24] =	ssyncadd.s32 $0xFFFFFFFF  }
0xa7: {  	s26 =	simm.s32 $execute0_lowered;
	[smem:$0x3FD2] =	sst s25  }
0xa8: {  	s6 =	sshll.u32 s26, $0x1;
	_ =	strace $0x80000046;
	[dreg:$0x1] =	wrdreg $0xFFFFFFFF  }
0xa9: {  	s28 =	simm.s32 $_size_execute0_lowered;
	s5 =	sadd.s32 s5, s6;
	[dreg:$0x0] =	wrdreg $0x0  }
0xaa: {  	s6 =	sshll.u32 s28, $0x1;
	[dreg:$0x2] =	wrdreg s5  }
0xab: {  	[dreg:$0x3] =	wrdreg s6  }
0xac: {  	[dreg:$0x4] =	wrdreg $0xC0  }
0xad: {  	_ =	task [dreg:s9], $0x5FFFF  }
0xae: {  	[dreg:$0x1] =	wrdreg $0xFFFFFFFF  }
0xaf: {  	[dreg:$0x0] =	wrdreg $0x60  }
0xb0: {  	[dreg:$0x2] =	wrdreg s19  }
0xb1: {  	[dreg:$0x3] =	wrdreg s2  }
0xb2: {  	[dreg:$0x4] =	wrdreg s4  }
0xb3: {  	[dreg:$0x5] =	wrdreg $0x9  }
0xb4: {  	_ =	task.clear_ibuf [dreg:s9], $0x6FFFF;
	_ =	strace $0x90000046  }
0xb5: {  	s29 =	simm.s32 $0x9;
	_ =	strace $0x80000048  }
0xb6: {  	_ =	swait.ge [sflag:s29], $0x1  }
0xb7: {  	[sflag:s29] =	ssyncadd.s32 $0xFFFFFFFF  }
0xb8: {  	_ =	strace $0x90000048  }
0xb9: {  	_ =	sfence  }
0xba: {  	s30 =	sld [smem:$0x0];
	_ =	sdelay $0x2  }
0xbb: {  	s31 =	sshll.u32 s1, $0xD;
	s1 =	sshrl.u32 s1, $0x2  }
0xbc: {  	s3 =	sand.u32 $0x4000, s31;
	s1 =	sadd.s32 s1, s30  }
0xbd: {  	s0 =	sor.u32 s3, s0;
	s1 =	sshll.u32 s1, $0x11  }
0xbe: {  	s0 =	sor.u32 s1, s0  }
0xbf: {  	s0 =	sadd.s32 $0x8F2B, s0  }
0xc0: {  	[sflag:s0] =	ssyncadd.remote.s32 $0x1  }
0xc1: {  	_ =	sfence.sel $0xFFFF  }
0xc2: {  	[dreg:$0x0] =	wrdreg $0xFFFFFFFF;
	(pc) =	sbr.abs _section_cstart, $3  }
0xc3: {  	[dreg:$0x1] =	wrdreg $0xFFFFFFFF  }
0xc4: {  	_ =	task.clear_ibuf [dreg:s9], $0x2FFFF;
	_ =	strace $0x9FFFFFFF  }
0xc5: {  	(tm) =	ssettm $0x7FFFFFFF  }
tec
execute0_lowered:
.L_overlay_start_1:
0x0: {  	(tag) =	ssettag $0x1  }
0x1: {  	s2 =	rddreg [dreg:$0x0]  }
0x2: {  	s1 =	srdreg.scid;
	s0 =	stileid.u32  }
0x3: {  	s4 =	rddreg [dreg:$0x1];
	s15 =	sand.u32 $0x1, s1;
	s5 =	sshll.u32 s0, $0x1  }
0x4: {  	s14 =	rddreg [dreg:$0x2];
	s3 =	simm.s32 $0x0;
	s12 =	sor.u32 s15, s5  }
0x5: {  	[smem:$0x7FF] =	sst s3;
	s5 =	sshll.u32 s12, $0x4  }
0x6: {  	s1 =	rddreg [dreg:$0x3];
	_ =	strace $0x80000047;
	s4 =	sadd.s32 s4, s5  }
0x7: {  	[tilespmem:s3], [sflag:$0x3] =	stream.linear.gather [hbm4b:s4+s3], $0x80, $0x38;
	[tilespmem:$0x8100] =	vst v63  }
0x8: {  	s6 =	simm.s32 $0x80;
	s7 =	simm.s32 $0x3;
	s5 =	sadd.s32 $0x200, s4  }
0x9: {  	[tilespmem:s6], [sflag:$0x4] =	stream.linear.gather [hbm4b:s5+s3], $0x80, $0x38;
	[tilespmem:$0x8100] =	vst v63  }
0xa: {  	_ =	swait.ge [sflag:s7], $0x80  }
0xb: {  	[sflag:s7] =	ssyncset.done $0x0  }
0xc: {  	s9 =	simm.s32 $0x100;
	s8 =	simm.s32 $0x4;
	[sflag:s7] =	ssyncadd.s32 $0xFFFFFF80  }
0xd: {  	[tilespmem:s9], [sflag:$0x1] =	stream.indirect.gather [hbm4b:s2+s6], $0x80, s3, s6, $0xb8;
	[tilespmem:$0x8100] =	vst v63  }
0xe: {  	_ =	swait.ge [sflag:s8], $0x80  }
0xf: {  	[sflag:s8] =	ssyncset.done $0x0  }
0x10: {  	s10 =	simm.s32 $0x4100;
	s11 =	simm.s32 $0x1;
	[sflag:s8] =	ssyncadd.s32 $0xFFFFFF80  }
0x11: {  	[tilespmem:s10], [sflag:$0x2] =	stream.indirect.gather [hbm4b:s2+s6], $0x80, s6, s6, $0xb8;
	[tilespmem:$0x8100] =	vst v63  }
0x12: {  	s13 =	simm.s32 $0x2;
	_ =	swait.ge [sflag:s11], $0x4000  }
0x13: {  	s15 =	ssub.s32 $0x2, s15;
	s16 =	sshll.u32 s12, $0xB;
	[sflag:s11] =	ssyncset.done $0x0  }
0x14: {  	s31 =	sshrl.u32 s15, $0x1;
	s12 =	sadd.s32 s14, s16;
	[sflag:s11] =	ssyncadd.s32 $0xFFFFC000  }
0x15: {  	[hbm4b:s12+s3] =	stream.linear.scatter [tilespmem:s9], [sflag:$0x3], $0x4000, $0x38;
	[tilespmem:$0x8100] =	vst v63  }
0x16: {  	s15 =	ssub.s32 s15, s31;
	_ =	swait.ge [sflag:s13], $0x4000  }
0x17: {  	s14 =	sadd.s32 $0x10000, s14;
	s15 =	smax.u32 s15, $0x1;
	[sflag:s13] =	ssyncset.done $0x0  }
0x18: {  	s14 =	sadd.s32 s16, s14;
	p0 =	sne.s32 s15, $0x1;
	[sflag:s13] =	ssyncadd.s32 $0xFFFFC000  }
0x19: {  	[hbm4b:s14+s3] =	stream.linear.scatter [tilespmem:s10], [sflag:$0x4], $0x4000, $0x38;
	[tilespmem:$0x8100] =	vst v63  }
.Ltmp0:
0x1a: {  	_ =	swait.ge [sflag:s7], $0x4000;
	(pc) =	sbr.rel @!p0 .LBB2_2-.Ltmp0, $4  }
0x1b: {  	[sflag:s7] =	ssyncset.done $0x0  }
0x1c: {  	[sflag:s7] =	ssyncadd.s32 $0xFFFFC000  }
0x1d: {  	_ =	swait.ge [sflag:s8], $0x4000  }
0x1e: {  	s15 =	sadd.s32 $0xFFFFFFFF, s15;
	[sflag:s8] =	ssyncset.done $0x0  }
.LBB2_1:
0x1f: {  	p0 =	sne.s32 s15, $0x1;
	s15 =	sadd.s32 $0xFFFFFFFF, s15;
	[sflag:s8] =	ssyncadd.s32 $0xFFFFC000  }
0x20: {  	[tilespmem:s3], [sflag:$0x3] =	stream.linear.gather [hbm4b:s4+s3], $0x80, $0x38;
	[tilespmem:$0x8100] =	vst v63  }
0x21: {  	_ = 	snop  }
0x22: {  	[tilespmem:s6], [sflag:$0x4] =	stream.linear.gather [hbm4b:s5+s3], $0x80, $0x38;
	[tilespmem:$0x8100] =	vst v63  }
0x23: {  	_ =	swait.ge [sflag:s7], $0x80  }
0x24: {  	[sflag:s7] =	ssyncset.done $0x0  }
0x25: {  	[sflag:s7] =	ssyncadd.s32 $0xFFFFFF80  }
0x26: {  	[tilespmem:s9], [sflag:$0x1] =	stream.indirect.gather [hbm4b:s2+s6], $0x80, s3, s6, $0xb8;
	[tilespmem:$0x8100] =	vst v63  }
0x27: {  	_ =	swait.ge [sflag:s8], $0x80  }
0x28: {  	[sflag:s8] =	ssyncset.done $0x0  }
0x29: {  	[sflag:s8] =	ssyncadd.s32 $0xFFFFFF80  }
0x2a: {  	[tilespmem:s10], [sflag:$0x2] =	stream.indirect.gather [hbm4b:s2+s6], $0x80, s6, s6, $0xb8;
	[tilespmem:$0x8100] =	vst v63  }
0x2b: {  	_ =	swait.ge [sflag:s11], $0x4000  }
0x2c: {  	[sflag:s11] =	ssyncset.done $0x0  }
0x2d: {  	[sflag:s11] =	ssyncadd.s32 $0xFFFFC000  }
0x2e: {  	[hbm4b:s12+s3] =	stream.linear.scatter [tilespmem:s9], [sflag:$0x3], $0x4000, $0x38;
	[tilespmem:$0x8100] =	vst v63  }
0x2f: {  	_ =	swait.ge [sflag:s13], $0x4000  }
0x30: {  	[sflag:s13] =	ssyncset.done $0x0  }
0x31: {  	[sflag:s13] =	ssyncadd.s32 $0xFFFFC000  }
0x32: {  	[hbm4b:s14+s3] =	stream.linear.scatter [tilespmem:s10], [sflag:$0x4], $0x4000, $0x38;
	[tilespmem:$0x8100] =	vst v63  }
.Ltmp1:
0x33: {  	_ =	swait.ge [sflag:s7], $0x4000;
	(pc) =	sbr.rel @p0 .LBB2_1-.Ltmp1, $4  }
0x34: {  	[sflag:s7] =	ssyncset.done $0x0  }
0x35: {  	[sflag:s7] =	ssyncadd.s32 $0xFFFFC000  }
0x36: {  	_ =	swait.ge [sflag:s8], $0x4000  }
0x37: {  	[sflag:s8] =	ssyncset.done $0x0  }
.LBB2_2:
0x38: {  	[sflag:s8] =	ssyncadd.s32 $0xFFFFC000  }
0x39: {  	_ =	sfence.sel $0x180000  }
0x3a: {  	[bflag:$0x0] =	sbarrier.arrive $0xFFFF  }
0x3b: {  	p0 =	sne.s32 s0, $0x0;
	_ =	strace $0x90000047  }
0x3c: {  	s0 =	sadd.s32 @!p0 $0x100000, s1;
	[bflag:$0x2] =	sbarrier.arrive $0xFFFF  }
0x3d: {  	[sflag:s0] =	ssyncadd.tile.s32 @!p0 $0x1;
	_ =	shalt  }
.Lfunc_end2:
_tile_overlayer_lowered:
.L_overlay_start_2:
0x3e: {  	(tag) =	ssettag $0x2  }
0x3f: {  	s0 =	rddreg [dreg:$0x0];
	s2 =	stileid.u32  }
0x40: {  	s1 =	rddreg [dreg:$0x1];
	p0 =	sne.s32 s2, $0x0  }
0x41: {  	s3 =	rddreg [dreg:$0x2];
	[bflag:$0x3] =	sbarrier.arrive $0xFFFF;
	s2 =	simm.s32 @!p0 $0x1C05  }
0x42: {  	[timem:s3], [sflag:s2] =	dma.local @!p0 [hbm:s0], s1  }
0x43: {  	s0 =	simm.s32 @!p0 $0x5  }
0x44: {  	_ =	swait.ge @!p0 [sflag:s0], s1  }
0x45: {  	s1 =	ssub.s32 @!p0 $0x0, s1;
	[sflag:s0] =	ssyncset.done @!p0 $0x0  }
0x46: {  	[sflag:s0] =	ssyncadd.s32 @!p0 s1  }
0x47: {  	[bflag:$0x3] =	sbarrier.arrive $0xFFFF  }
0x48: {  	_ =	shalt  }

// kernel: kernel.9.cloned.1.call-start
scs
__scs_entry_jumppad:
0x0: {  	(pc) =	sbr.rel $0x88, $3  }
0x1: {  	(tag) =	ssettag $0x0;
	lr =	simm.s32 $0x1  }
0x2: {  	[smem:$0x3F9D] =	sst lr;
	_ =	strace $0xD0000000  }
0x3: {  	_ = 	snop  }
0x4: {  	_ = 	snop  }
0x5: {  	_ = 	snop  }
0x6: {  	_ = 	snop  }
0x7: {  	_ = 	snop  }
__scs_overlays_trampoline_lowered:
0x8: {  	[smem:$0x3FAC] =	sst s0  }
0x9: {  	[smem:$0x3FAD] =	sst s1  }
0xa: {  	[smem:$0x3FAE] =	sst s2  }
0xb: {  	[smem:$0x3FAF] =	sst s3  }
0xc: {  	[smem:$0x3FB0] =	sst s4  }
0xd: {  	[smem:$0x3FB1] =	sst s5  }
0xe: {  	[smem:$0x3FB2] =	sst s6  }
0xf: {  	[smem:$0x3FB3] =	sst s7  }
0x10: {  	[smem:$0x3FB4] =	sst s8  }
0x11: {  	[smem:$0x3FB5] =	sst s9;
	s0 =	simm.s32 @!p0 $0x0  }
0x12: {  	s1 =	sld [smem:$0x3F9B];
	s0 =	simm.s32 @p0 $0x1  }
0x13: {  	[smem:$0x3FB6] =	sst s0;
	s0 =	simm.s32 @!p1 $0x0  }
0x14: {  	s2 =	sld [smem:$0x3F9A];
	s0 =	simm.s32 @p1 $0x1  }
0x15: {  	[smem:$0x3FB7] =	sst s0;
	s0 =	simm.s32 @!p2 $0x0  }
0x16: {  	s3 =	sld [smem:$0x3FDB];
	s0 =	simm.s32 @p2 $0x1  }
0x17: {  	s4 =	simm.s32 $0x1BF5;
	[smem:$0x3FB9] =	sst s0  }
0x18: {  	s0 =	sld [smem:$0x3F9C];
	_ =	swait.ge [sflag:s4], $0x0  }
0x19: {  	s7 =	sld [smem:$0x3F9D]  }
0x1a: {  	s8 =	sadd.s32 $0xFFFFE003, lr  }
0x1b: {  	s9 =	sadd.s32 $0xFFFFFEF7, lr;
	s5 =	simm.s32 $0xFFFFFFFF;
	p2 =	slt.u32 s8, $0xFFFFF086  }
0x1c: {  	p1 =	slt.u32 s9, $0xF7A;
	s5 =	simm.s32 @!p2 $0x0  }
0x1d: {  	s5 =	simm.s32 @p1 $0x1;
	p0 =	seq.s32 s7, s2  }
0x1e: {  	s7 =	smul.u32 @!p0 $0xF7A, s2;
	p2 =	seq.s32 @!p0 s5, $0x0  }
0x1f: {  	s9 =	smul.u32 $0xF7A, s1;
	s8 =	simm.s32 @!p0 $0x1BF5;
	p2 =	por !p2, p0  }
0x20: {  	[sflag:s8] =	ssyncset.s32 @!p0 $0xFFFFF086;
	s6 =	sadd.s32 @!p0 s3, s7;
	s7 =	simm.s32 @!p0 $0x108  }
0x21: {  	s3 =	sadd.s32 s3, s9;
	s6 =	sadd.s32 @!p0 $0x88, s6;
	s7 =	simm.s32 @p2 $0x1082  }
0x22: {  	[simem:s7], [sflag:s8] =	dma.local @!p0 [hbm:s6], $0xF7A  }
0x23: {  	s9 =	sor.u32 $0xD0000000, s2;
	s6 =	simm.s32 $0x108;
	_ =	swait.ge @!p0 [sflag:s8], $0x0  }
0x24: {  	s3 =	sadd.s32 $0x88, s3;
	s6 =	simm.s32 @!p1 $0x1082;
	[sflag:s4] =	ssyncset.s32 $0xFFFFF086  }
0x25: {  	[simem:s6], [sflag:s4] =	dma.local [hbm:s3], $0xF7A  }
0x26: {  	[smem:$0x3F9D] =	sst s1;
	(tag) =	ssettag s2;
	_ =	strace s9  }
0x27: {  	s1 =	sld [smem:$0x3FAD]  }
0x28: {  	s2 =	sld [smem:$0x3FAE]  }
0x29: {  	s4 =	sld [smem:$0x3FB0]  }
0x2a: {  	p0 =	seq.s32 s5, $0x0;
	s5 =	sld [smem:$0x3FB1]  }
0x2b: {  	s6 =	sld [smem:$0x3FB2]  }
0x2c: {  	s7 =	sld [smem:$0x3FB3]  }
0x2d: {  	s3 =	simm.s32 $0x108;
	s8 =	sld [smem:$0x3FB4]  }
0x2e: {  	s3 =	simm.s32 @!p0 $0x1082;
	s9 =	sld [smem:$0x3FB5]  }
0x2f: {  	lr =	sadd.s32 s0, s3;
	s0 =	sld [smem:$0x3FAC]  }
0x30: {  	s3 =	sld [smem:$0x3FAF]  }
0x31: {  	[smem:$0x3FB8] =	sst s10  }
0x32: {  	s10 =	sld [smem:$0x3FB6];
	_ =	sdelay $0x3  }
0x33: {  	p0 =	seq.s32 s10, $0x1;
	s10 =	sld [smem:$0x3FB8];
	_ =	sdelay $0x3  }
0x34: {  	[smem:$0x3FB8] =	sst s10  }
0x35: {  	s10 =	sld [smem:$0x3FB7];
	_ =	sdelay $0x3  }
0x36: {  	p1 =	seq.s32 s10, $0x1;
	s10 =	sld [smem:$0x3FB8];
	_ =	sdelay $0x3  }
0x37: {  	[smem:$0x3FB8] =	sst s10  }
0x38: {  	s10 =	sld [smem:$0x3FB9]  }
0x39: {  	_ = 	snop;
	(pc) =	sbr.ind lr, $3  }
0x3a: {  	_ = 	snop  }
0x3b: {  	_ = 	snop  }
0x3c: {  	p2 =	seq.s32 s10, $0x1;
	s10 =	sld [smem:$0x3FB8]  }
0x3d: {  	_ =	shalt  }
0x3e: {  	_ =	shalt  }
0x3f: {  	_ =	shalt  }
0x40: {  	_ =	shalt  }
0x41: {  	_ =	shalt  }
0x42: {  	_ =	shalt  }
0x43: {  	_ =	shalt  }
0x44: {  	_ =	shalt  }
0x45: {  	_ =	shalt  }
0x46: {  	_ =	shalt  }
0x47: {  	_ =	shalt  }
0x48: {  	_ =	shalt  }
0x49: {  	_ =	shalt  }
0x4a: {  	_ =	shalt  }
0x4b: {  	_ =	shalt  }
0x4c: {  	_ =	shalt  }
0x4d: {  	_ =	shalt  }
0x4e: {  	_ =	shalt  }
0x4f: {  	_ =	shalt  }
0x50: {  	_ =	shalt  }
0x51: {  	_ =	shalt  }
0x52: {  	_ =	shalt  }
0x53: {  	_ =	shalt  }
0x54: {  	_ =	shalt  }
0x55: {  	_ =	shalt  }
0x56: {  	_ =	shalt  }
0x57: {  	_ =	shalt  }
0x58: {  	_ =	shalt  }
0x59: {  	_ =	shalt  }
0x5a: {  	_ =	shalt  }
0x5b: {  	_ =	shalt  }
0x5c: {  	_ =	shalt  }
0x5d: {  	_ =	shalt  }
0x5e: {  	_ =	shalt  }
0x5f: {  	_ =	shalt  }
0x60: {  	_ =	shalt  }
0x61: {  	_ =	shalt  }
0x62: {  	_ =	shalt  }
0x63: {  	_ =	shalt  }
0x64: {  	_ =	shalt  }
0x65: {  	_ =	shalt  }
0x66: {  	_ =	shalt  }
0x67: {  	_ =	shalt  }
0x68: {  	_ =	shalt  }
0x69: {  	_ =	shalt  }
0x6a: {  	_ =	shalt  }
0x6b: {  	_ =	shalt  }
0x6c: {  	_ =	shalt  }
0x6d: {  	_ =	shalt  }
0x6e: {  	_ =	shalt  }
0x6f: {  	_ =	shalt  }
0x70: {  	_ =	shalt  }
0x71: {  	_ =	shalt  }
0x72: {  	_ =	shalt  }
0x73: {  	_ =	shalt  }
0x74: {  	_ =	shalt  }
0x75: {  	_ =	shalt  }
0x76: {  	_ =	shalt  }
0x77: {  	_ =	shalt  }
0x78: {  	_ =	shalt  }
0x79: {  	_ =	shalt  }
0x7a: {  	_ =	shalt  }
0x7b: {  	_ =	shalt  }
0x7c: {  	_ =	shalt  }
0x7d: {  	_ =	shalt  }
0x7e: {  	_ =	shalt  }
0x7f: {  	_ =	shalt  }
0x80: {  	_ =	shalt  }
0x81: {  	_ =	shalt  }
0x82: {  	_ =	shalt  }
0x83: {  	_ =	shalt  }
0x84: {  	_ =	shalt  }
0x85: {  	_ =	shalt  }
0x86: {  	_ =	shalt  }
0x87: {  	_ =	shalt  }
.Lfunc_end0:
.L_simem_size_0:
called_computation.1_lowered:
.L_overlay_start_0:
0x88: {  	s2 =	sld [smem:$0x3FD9]  }
0x89: {  	s3 =	sld [smem:$0x3FFE];
	_ =	sdelay $0x1  }
0x8a: {  	s1 =	srdreg.scid  }
0x8b: {  	s0 =	sand.u32 $0x1, s1  }
0x8c: {  	s17 =	sshll.u32 s0, $0xA;
	s2 =	sadd.s32 s3, s2  }
0x8d: {  	s2 =	sadd.s32 s2, s17  }
0x8e: {  	[smem:$0x3FC4] =	sst s2  }
0x8f: {  	_ = 	snop  }
0x90: {  	s18 =	sld [smem:$0x3FC9]  }
0x91: {  	s4 =	sld [smem:$0x3FC8];
	(tm) =	ssettm $0x1  }
0x92: {  	s19 =	sld [smem:$0x3FFB];
	_ =	sdelay $0x3  }
0x93: {  	_ =	strace s19  }
0x94: {  	s2 =	sld [smem:$0x3FFC];
	_ =	sdelay $0x3  }
0x95: {  	_ =	strace s2  }
0x96: {  	s2 =	sld [smem:$0x3FFD];
	_ =	sdelay $0x3  }
0x97: {  	_ =	strace s2  }
0x98: {  	_ =	strace $0x8FFFFFFF  }
0x99: {  	s20 =	sld [smem:$0x3FDB];
	_ =	sdelay $0x1  }
0x9a: {  	s5 =	simm.s32 $_scs_section_size  }
0x9b: {  	s6 =	simm.s32 $_size__tile_overlayer_lowered;
	s7 =	simm.s32 $_tile_overlayer_lowered  }
0x9c: {  	s8 =	simm.s32 $0x1BFF;
	s21 =	sshll.u32 s7, $0x1;
	s5 =	sadd.s32 s5, s20  }
0x9d: {  	s22 =	simm.s32 $0x0;
	s6 =	sshll.u32 s6, $0x1;
	s7 =	sadd.s32 s21, s5  }
0x9e: {  	[timem:s22], [sflag:s8] =	dma.local [hbm:s7], s6  }
0x9f: {  	_ =	swait.ge [sflag:s8], s6  }
0xa0: {  	s6 =	ssub.s32 $0x0, s6;
	[sflag:s8] =	ssyncset.done $0x0  }
0xa1: {  	[sflag:s8] =	ssyncadd.s32 s6;
	_ =	sdelay $0x1  }
0xa2: {  	s23 =	simm.s32 $0x1B8B  }
0xa3: {  	_ =	swait.ge [sflag:s23], $0x1  }
0xa4: {  	[sflag:s23] =	ssyncset.done $0x0  }
0xa5: {  	[sflag:s23] =	ssyncadd.s32 $0xFFFFFFFF  }
0xa6: {  	s6 =	sld [smem:$0x0]  }
0xa7: {  	s7 =	sand.u32 $0xFFFFFFFE, s1  }
0xa8: {  	p0 =	sne.s32 s1, s7  }
0xa9: {  	s7 =	sshll.u32 @p0 s7, $0xE  }
0xaa: {  	s7 =	sadd.s32 @p0 $0x11B8D, s7;
	s8 =	sshll.u32 @p0 s6, $0x11  }
0xab: {  	s7 =	sor.u32 @p0 s8, s7  }
0xac: {  	[sflag:s7] =	ssyncadd.remote.s32 @p0 $0x1;
	_ =	sdelay $0x1  }
0xad: {  	s7 =	simm.s32 @p0 $0x1B8D  }
0xae: {  	_ =	swait.eq @p0 [sflag:s7], $0x1  }
0xaf: {  	[sflag:s7] =	ssyncadd.s32 @p0 $0xFFFFFFFF  }
0xb0: {  	s8 =	sshll.u32 @!p0 s1, $0xE  }
0xb1: {  	s8 =	sor.u32 @!p0 $0x4000, s8;
	s7 =	simm.s32 @!p0 $0x1B8D  }
0xb2: {  	s6 =	sshll.u32 @!p0 s6, $0x11;
	s8 =	sadd.s32 @!p0 $0x11B8D, s8;
	_ =	swait.eq @!p0 [sflag:s7], $0x1  }
0xb3: {  	s6 =	sor.u32 @!p0 s6, s8;
	[sflag:s7] =	ssyncadd.s32 @!p0 $0xFFFFFFFF  }
0xb4: {  	s25 =	simm.s32 $0x1B8E;
	s24 =	sld [smem:$0x3FFE];
	[sflag:s6] =	ssyncadd.remote.s32 @!p0 $0x1  }
0xb5: {  	s26 =	simm.s32 $execute0_lowered;
	[smem:$0x3FD2] =	sst s25  }
0xb6: {  	s7 =	sshll.u32 s26, $0x1;
	_ =	strace $0x80000049;
	[dreg:$0x1] =	wrdreg $0xFFFFFFFF  }
0xb7: {  	s28 =	simm.s32 $_size_execute0_lowered;
	s5 =	sadd.s32 s5, s7;
	[dreg:$0x0] =	wrdreg $0x0  }
0xb8: {  	s7 =	sshll.u32 s28, $0x1;
	[dreg:$0x2] =	wrdreg s5  }
0xb9: {  	[dreg:$0x3] =	wrdreg s7  }
0xba: {  	[dreg:$0x4] =	wrdreg $0xC0  }
0xbb: {  	_ =	task [dreg:s22], $0x5FFFF  }
0xbc: {  	[dreg:$0x1] =	wrdreg $0xFFFFFFFF  }
0xbd: {  	[dreg:$0x0] =	wrdreg $0x60  }
0xbe: {  	[dreg:$0x2] =	wrdreg s4  }
0xbf: {  	[dreg:$0x3] =	wrdreg s18  }
0xc0: {  	[dreg:$0x4] =	wrdreg s24  }
0xc1: {  	[dreg:$0x5] =	wrdreg $0xA  }
0xc2: {  	_ =	task.clear_ibuf [dreg:s22], $0x6FFFF;
	_ =	strace $0x90000049  }
0xc3: {  	s29 =	simm.s32 $0xA;
	_ =	strace $0x8000004B  }
0xc4: {  	_ =	swait.ge [sflag:s29], $0x1  }
0xc5: {  	[sflag:s29] =	ssyncadd.s32 $0xFFFFFFFF  }
0xc6: {  	_ =	strace $0x9000004B  }
0xc7: {  	_ =	sfence  }
0xc8: {  	s30 =	sld [smem:$0x0];
	_ =	sdelay $0x2  }
0xc9: {  	s31 =	sshll.u32 s1, $0xD;
	s1 =	sshrl.u32 s1, $0x2  }
0xca: {  	s4 =	sand.u32 $0x4000, s31;
	s1 =	sadd.s32 s1, s30  }
0xcb: {  	s0 =	sor.u32 s4, s0;
	s1 =	sshll.u32 s1, $0x11  }
0xcc: {  	s0 =	sor.u32 s1, s0  }
0xcd: {  	s0 =	sadd.s32 $0x8F2B, s0  }
0xce: {  	[sflag:s0] =	ssyncadd.remote.s32 $0x1  }
0xcf: {  	_ =	sfence.sel $0xFFFF  }
0xd0: {  	[dreg:$0x0] =	wrdreg $0xFFFFFFFF;
	(pc) =	sbr.abs _section_cstart, $3  }
0xd1: {  	[dreg:$0x1] =	wrdreg $0xFFFFFFFF  }
0xd2: {  	_ =	task.clear_ibuf [dreg:s22], $0x2FFFF;
	_ =	strace $0x9FFFFFFF  }
0xd3: {  	(tm) =	ssettm $0x7FFFFFFF  }
tec
execute0_lowered:
.L_overlay_start_1:
0x0: {  	(tag) =	ssettag $0x1  }
0x1: {  	s2 =	srdreg.scid;
	s0 =	stileid.u32  }
0x2: {  	s1 =	rddreg [dreg:$0x0];
	s14 =	sand.u32 $0x1, s2;
	s30 =	sshll.u32 s0, $0x1  }
0x3: {  	s4 =	rddreg [dreg:$0x1];
	s12 =	sor.u32 s14, s30  }
0x4: {  	s15 =	rddreg [dreg:$0x2];
	s3 =	simm.s32 $0x0;
	s5 =	sshll.u32 s12, $0x4  }
0x5: {  	[smem:$0x7FF] =	sst s3;
	s5 =	sadd.s32 s5, s4  }
0x6: {  	s2 =	rddreg [dreg:$0x3];
	_ =	strace $0x8000004A;
	s4 =	sadd.s32 $0x400, s5  }
0x7: {  	[tilespmem:s3], [sflag:$0x3] =	stream.linear.gather [hbm4b:s4+s3], $0x80, $0x38;
	[tilespmem:$0x8100] =	vst v63  }
0x8: {  	s6 =	simm.s32 $0x80;
	s7 =	simm.s32 $0x3;
	s5 =	sadd.s32 $0x600, s5  }
0x9: {  	[tilespmem:s6], [sflag:$0x4] =	stream.linear.gather [hbm4b:s5+s3], $0x80, $0x38;
	[tilespmem:$0x8100] =	vst v63  }
0xa: {  	_ =	swait.ge [sflag:s7], $0x80  }
0xb: {  	[sflag:s7] =	ssyncset.done $0x0  }
0xc: {  	s9 =	simm.s32 $0x100;
	s8 =	simm.s32 $0x4;
	[sflag:s7] =	ssyncadd.s32 $0xFFFFFF80  }
0xd: {  	[tilespmem:s9], [sflag:$0x1] =	stream.indirect.gather [hbm4b:s1+s6], $0x80, s3, s6, $0xb8;
	[tilespmem:$0x8100] =	vst v63  }
0xe: {  	_ =	swait.ge [sflag:s8], $0x80  }
0xf: {  	s10 =	simm.s32 $0x4100;
	[sflag:s8] =	ssyncset.done $0x0  }
0x10: {  	s11 =	simm.s32 $0x1;
	s13 =	simm.s32 $0x2;
	[sflag:s8] =	ssyncadd.s32 $0xFFFFFF80  }
0x11: {  	[tilespmem:s10], [sflag:$0x2] =	stream.indirect.gather [hbm4b:s1+s6], $0x80, s6, s6, $0xb8;
	[tilespmem:$0x8100] =	vst v63  }
0x12: {  	s17 =	ssub.s32 $0x2, s14;
	s16 =	sshll.u32 s12, $0xB;
	_ =	swait.ge [sflag:s11], $0x4000  }
0x13: {  	s31 =	sshrl.u32 s17, $0x1;
	s12 =	sadd.s32 s16, s15;
	[sflag:s11] =	ssyncset.done $0x0  }
0x14: {  	s15 =	sadd.s32 $0x11000, s15;
	s12 =	sadd.s32 $0x1000, s12;
	[sflag:s11] =	ssyncadd.s32 $0xFFFFC000  }
0x15: {  	[hbm4b:s12+s3] =	stream.linear.scatter [tilespmem:s9], [sflag:$0x3], $0x4000, $0x38;
	[tilespmem:$0x8100] =	vst v63  }
0x16: {  	s14 =	sadd.s32 s16, s15;
	s15 =	ssub.s32 s17, s31;
	_ =	swait.ge [sflag:s13], $0x4000  }
0x17: {  	s15 =	smax.u32 s15, $0x1;
	[sflag:s13] =	ssyncset.done $0x0  }
0x18: {  	p0 =	sne.s32 s15, $0x1;
	[sflag:s13] =	ssyncadd.s32 $0xFFFFC000  }
0x19: {  	[hbm4b:s14+s3] =	stream.linear.scatter [tilespmem:s10], [sflag:$0x4], $0x4000, $0x38;
	[tilespmem:$0x8100] =	vst v63  }
.Ltmp0:
0x1a: {  	_ =	swait.ge [sflag:s7], $0x4000;
	(pc) =	sbr.rel @!p0 .LBB2_2-.Ltmp0, $4  }
0x1b: {  	[sflag:s7] =	ssyncset.done $0x0  }
0x1c: {  	[sflag:s7] =	ssyncadd.s32 $0xFFFFC000  }
0x1d: {  	_ =	swait.ge [sflag:s8], $0x4000  }
0x1e: {  	s15 =	sadd.s32 $0xFFFFFFFF, s15;
	[sflag:s8] =	ssyncset.done $0x0  }
.LBB2_1:
0x1f: {  	p0 =	sne.s32 s15, $0x1;
	s15 =	sadd.s32 $0xFFFFFFFF, s15;
	[sflag:s8] =	ssyncadd.s32 $0xFFFFC000  }
0x20: {  	[tilespmem:s3], [sflag:$0x3] =	stream.linear.gather [hbm4b:s4+s3], $0x80, $0x38;
	[tilespmem:$0x8100] =	vst v63  }
0x21: {  	_ = 	snop  }
0x22: {  	[tilespmem:s6], [sflag:$0x4] =	stream.linear.gather [hbm4b:s5+s3], $0x80, $0x38;
	[tilespmem:$0x8100] =	vst v63  }
0x23: {  	_ =	swait.ge [sflag:s7], $0x80  }
0x24: {  	[sflag:s7] =	ssyncset.done $0x0  }
0x25: {  	[sflag:s7] =	ssyncadd.s32 $0xFFFFFF80  }
0x26: {  	[tilespmem:s9], [sflag:$0x1] =	stream.indirect.gather [hbm4b:s1+s6], $0x80, s3, s6, $0xb8;
	[tilespmem:$0x8100] =	vst v63  }
0x27: {  	_ =	swait.ge [sflag:s8], $0x80  }
0x28: {  	[sflag:s8] =	ssyncset.done $0x0  }
0x29: {  	[sflag:s8] =	ssyncadd.s32 $0xFFFFFF80  }
0x2a: {  	[tilespmem:s10], [sflag:$0x2] =	stream.indirect.gather [hbm4b:s1+s6], $0x80, s6, s6, $0xb8;
	[tilespmem:$0x8100] =	vst v63  }
0x2b: {  	_ =	swait.ge [sflag:s11], $0x4000  }
0x2c: {  	[sflag:s11] =	ssyncset.done $0x0  }
0x2d: {  	[sflag:s11] =	ssyncadd.s32 $0xFFFFC000  }
0x2e: {  	[hbm4b:s12+s3] =	stream.linear.scatter [tilespmem:s9], [sflag:$0x3], $0x4000, $0x38;
	[tilespmem:$0x8100] =	vst v63  }
0x2f: {  	_ =	swait.ge [sflag:s13], $0x4000  }
0x30: {  	[sflag:s13] =	ssyncset.done $0x0  }
0x31: {  	[sflag:s13] =	ssyncadd.s32 $0xFFFFC000  }
0x32: {  	[hbm4b:s14+s3] =	stream.linear.scatter [tilespmem:s10], [sflag:$0x4], $0x4000, $0x38;
	[tilespmem:$0x8100] =	vst v63  }
.Ltmp1:
0x33: {  	_ =	swait.ge [sflag:s7], $0x4000;
	(pc) =	sbr.rel @p0 .LBB2_1-.Ltmp1, $4  }
0x34: {  	[sflag:s7] =	ssyncset.done $0x0  }
0x35: {  	[sflag:s7] =	ssyncadd.s32 $0xFFFFC000  }
0x36: {  	_ =	swait.ge [sflag:s8], $0x4000  }
0x37: {  	[sflag:s8] =	ssyncset.done $0x0  }
.LBB2_2:
0x38: {  	[sflag:s8] =	ssyncadd.s32 $0xFFFFC000  }
0x39: {  	_ =	sfence.sel $0x180000  }
0x3a: {  	[bflag:$0x0] =	sbarrier.arrive $0xFFFF  }
0x3b: {  	p0 =	sne.s32 s0, $0x0;
	_ =	strace $0x9000004A  }
0x3c: {  	s0 =	sadd.s32 @!p0 $0x100000, s2;
	[bflag:$0x2] =	sbarrier.arrive $0xFFFF  }
0x3d: {  	[sflag:s0] =	ssyncadd.tile.s32 @!p0 $0x1;
	_ =	shalt  }
.Lfunc_end2:
_tile_overlayer_lowered:
.L_overlay_start_2:
0x3e: {  	(tag) =	ssettag $0x2  }
0x3f: {  	s0 =	rddreg [dreg:$0x0];
	s2 =	stileid.u32  }
0x40: {  	s1 =	rddreg [dreg:$0x1];
	p0 =	sne.s32 s2, $0x0  }
0x41: {  	s3 =	rddreg [dreg:$0x2];
	[bflag:$0x3] =	sbarrier.arrive $0xFFFF;
	s2 =	simm.s32 @!p0 $0x1C05  }
0x42: {  	[timem:s3], [sflag:s2] =	dma.local @!p0 [hbm:s0], s1  }
0x43: {  	s0 =	simm.s32 @!p0 $0x5  }
0x44: {  	_ =	swait.ge @!p0 [sflag:s0], s1  }
0x45: {  	s1 =	ssub.s32 @!p0 $0x0, s1;
	[sflag:s0] =	ssyncset.done @!p0 $0x0  }
0x46: {  	[sflag:s0] =	ssyncadd.s32 @!p0 s1  }
0x47: {  	[bflag:$0x3] =	sbarrier.arrive $0xFFFF  }
0x48: {  	_ =	shalt  }

</sc_bundles>
